<compile_context>
chip_gen: v7x
topology: tpu7x:2x2x1
jax: 0.10.2.dev20260603
libtpu: 0.0.44.dev20260713+nightly
codegen_flags: <defaults>
</compile_context>

<pallas_src>
import functools

import jax
import jax.numpy as jnp
from jax import lax
from jax.experimental import pallas as pl
from jax.experimental.pallas import tpu as pltpu
from jax.experimental.pallas import tpu_sc as plsc

_NC = 2
_NS = 16
_NW = _NC * _NS
_PW = 128
_LANES = 16
_D2 = 128


def _sc_body(feat_hbm, pids_hbm, ptable_hbm, out_hbm,
             idx_v, emb_v, feat_v, out_v, ptable_sh, sem_g, sem_f, sem_o,
             pairs_per_tile):
    wid = lax.axis_index("s") * _NC + lax.axis_index("c")
    base = wid * pairs_per_tile
    n_chunks = pairs_per_tile // _PW

    @pl.when(lax.axis_index("s") == 0)
    def _():
        pltpu.sync_copy(ptable_hbm, ptable_sh)

    plsc.subcore_barrier()

    pltpu.sync_copy(pids_hbm.at[pl.ds(base, pairs_per_tile)], idx_v)

    def prefetch(ci, bb):
        p0 = base + ci * _PW
        pltpu.async_copy(ptable_sh.at[idx_v.at[pl.ds(ci * _PW, _PW)]],
                         emb_v.at[bb], sem_g.at[bb])
        pltpu.async_copy(feat_hbm.at[pl.ds(p0, _PW)], feat_v.at[bb],
                         sem_f.at[bb])

    for bb in range(2):
        prefetch(bb, bb)

    @pl.loop(0, n_chunks // 2)
    def _(ci2):
        for bb in range(2):
            ci = ci2 * 2 + bb
            pltpu.make_async_copy(
                feat_hbm.at[pl.ds(0, _PW)], feat_v.at[bb], sem_f.at[bb]
            ).wait()
            pltpu.make_async_copy(
                ptable_sh.at[idx_v.at[pl.ds(ci * _PW, _PW)]],
                emb_v.at[bb], sem_g.at[bb]
            ).wait()

            @pl.when(ci >= 2)
            def _():
                pltpu.make_async_copy(
                    out_v.at[bb], out_hbm.at[pl.ds(0, _PW)], sem_o.at[bb]
                ).wait()

            @plsc.parallel_loop(0, _PW, unroll=8)
            def _(j):
                for c in range(0, _D2, _LANES):
                    sl = pl.ds(c, _LANES)
                    out_v[bb, j, sl] = feat_v[bb, j, sl] + emb_v[bb, j, sl]

            pltpu.async_copy(out_v.at[bb],
                             out_hbm.at[pl.ds(base + ci * _PW, _PW)],
                             sem_o.at[bb])

            @pl.when(ci + 2 < n_chunks)
            def _():
                prefetch(ci + 2, bb)

    for bb in range(2):
        pltpu.make_async_copy(
            out_v.at[bb], out_hbm.at[pl.ds(0, _PW)], sem_o.at[bb]
        ).wait()


def kernel(features, modality_ids, modality_table):
    b, s, d = features.shape
    n = b * s
    n2 = n // 2
    pairs_per_tile = n2 // _NW
    feat2 = features.reshape(n2, 2 * d)
    ids = modality_ids.reshape(n).astype(jnp.int32)
    pids = ids[0::2] * modality_table.shape[0] + ids[1::2]
    ptable = jnp.concatenate(
        [jnp.repeat(modality_table, modality_table.shape[0], axis=0),
         jnp.tile(modality_table, (modality_table.shape[0], 1))], axis=1)

    mesh = plsc.VectorSubcoreMesh(core_axis_name="c", subcore_axis_name="s")
    sc_call = functools.partial(_sc_body, pairs_per_tile=pairs_per_tile)
    out = pl.kernel(
        sc_call,
        mesh=mesh,
        out_type=jax.ShapeDtypeStruct((n2, 2 * d), jnp.float32),
        scratch_types=[
            pltpu.VMEM((n2 // _NW,), jnp.int32),
            pltpu.VMEM((2, _PW, _D2), jnp.float32),
            pltpu.VMEM((2, _PW, _D2), jnp.float32),
            pltpu.VMEM((2, _PW, _D2), jnp.float32),
            pltpu.VMEM_SHARED((256, _D2), jnp.float32),
            pltpu.SemaphoreType.DMA((2,)),
            pltpu.SemaphoreType.DMA((2,)),
            pltpu.SemaphoreType.DMA((2,)),
        ],
    )(feat2, pids, ptable)
    return out.reshape(b, s, d)

# --- scband reference (transcript-rebuilt; emitter-appended) ---
"""Pipeline reference for scband-lookup-table-modality-embedding-23768349016427 (READ-ONLY COPY).

The authoritative reference and input builder live on the scoring server;
editing this copy changes nothing except your own understanding.
"""

import jax, jax.numpy as jnp
import numpy as np

BATCH = 4096
SEQ = 200
FEATURE_DIM = 64
NUM_MODALITIES = 16

def setup_inputs(seed: int = 0) -> dict:
    key = jax.random.key(seed)
    k1, k2, k3 = jax.random.split(key, 3)
    features = jax.random.normal(k1, (BATCH, SEQ, FEATURE_DIM), dtype=jnp.float32)
    modality_ids = jax.random.randint(k2, (BATCH, SEQ), 0, NUM_MODALITIES, dtype=jnp.int64 if jax.config.read('jax_enable_x64') else jnp.int32)
    # learned embedding table (nn.Embedding default init ~ N(0,1))
    modality_table = jax.random.normal(k3, (NUM_MODALITIES, FEATURE_DIM), dtype=jnp.float32)
    return {"features": features, "modality_ids": modality_ids, "modality_table": modality_table}

def reference(features, modality_ids, modality_table):
    # embedding lookup: gather rows of the table by modality id
    embeddings = jnp.take(modality_table, modality_ids, axis=0)  # [B, S, D]
    return features + embeddings

if __name__ == "__main__":
    import jax
    _d = setup_inputs()
    print(jax.jit(kernel)(*tuple(_d.values())))

</pallas_src>

<mosaic_0001>
#map = affine_map<(d0, d1) -> (0, 0)>
#map1 = affine_map<(d0, d1) -> (0)>
module attributes {stable_mosaic.version = 14 : i64} {
  func.func @_sc_body(%arg0: i32, %arg1: i32, %arg2: memref<409600x128xf32, #tpu.memory_space<hbm>>, %arg3: memref<409600xi32, #tpu.memory_space<hbm>>, %arg4: memref<256x128xf32, #tpu.memory_space<hbm>>, %arg5: memref<409600x128xf32, #tpu.memory_space<hbm>>, %arg6: memref<12800xi32, #tpu.memory_space<vmem>>, %arg7: memref<2x128x128xf32, #tpu.memory_space<vmem>>, %arg8: memref<2x128x128xf32, #tpu.memory_space<vmem>>, %arg9: memref<2x128x128xf32, #tpu.memory_space<vmem>>, %arg10: memref<256x128xf32, #tpu.memory_space<vmem_shared>>, %arg11: memref<2x!tpu.dma_semaphore, #tpu.memory_space<semaphore_mem>>, %arg12: memref<2x!tpu.dma_semaphore, #tpu.memory_space<semaphore_mem>>, %arg13: memref<2x!tpu.dma_semaphore, #tpu.memory_space<semaphore_mem>>) attributes {dimension_semantics = [#tpu.dimension_semantics<core_parallel>, #tpu.dimension_semantics<subcore_parallel>], iteration_bounds = array<i64: 2, 16>, scalar_prefetch = 0 : i64, scratch_operands = 8 : i64, tpu.core_type = #tpu.core_type<sc_vector_subcore>, window_params = [{transform_indices = #map}, {transform_indices = #map1}, {transform_indices = #map}, {transform_indices = #map}]} {
    %mul3A = arith.constant 2 : i32
    %mul3A_0 = arith.muli %arg1, %mul3A : i32
    %add3A = arith.addi %mul3A_0, %arg0 : i32
    %mul3A_1 = arith.constant 12800 : i32
    %mul3A_2 = arith.muli %add3A, %mul3A_1 : i32
    %eq3A = arith.constant 0 : i32
    %eq3A_3 = arith.cmpi eq, %arg1, %eq3A : i32
    %convert_element_type3A = arith.extui %eq3A_3 : i1 to i32
    %cond3A = arith.constant 0 : i32
    %cond3A_4 = arith.cmpi ne, %convert_element_type3A, %cond3A : i32
    scf.if %cond3A_4 {
      "tpu.region"() ({
        %run_scoped3A = tpu.sem_alloc : memref<!tpu.dma_semaphore, #tpu.memory_space<semaphore_mem>>
        tpu.enqueue_dma source(%arg4 : memref<256x128xf32, #tpu.memory_space<hbm>>) target(%arg10 : memref<256x128xf32, #tpu.memory_space<vmem_shared>>) target_semaphore(%run_scoped3A : memref<!tpu.dma_semaphore, #tpu.memory_space<semaphore_mem>>)
        tpu.wait_dma2 semaphore(%run_scoped3A : memref<!tpu.dma_semaphore, #tpu.memory_space<semaphore_mem>>) src(%arg4 : memref<256x128xf32, #tpu.memory_space<hbm>>) dst(%arg10 : memref<256x128xf32, #tpu.memory_space<vmem_shared>>)
        tpu.yield
      }) : () -> ()
    } else {
    }
    %barrier3A = arith.constant 0 : index
    tpu.barrier barrier_id(%barrier3A)
    "tpu.region"() ({
      %run_scoped3A = tpu.sem_alloc : memref<!tpu.dma_semaphore, #tpu.memory_space<semaphore_mem>>
      %dma_start3A_105 = tpu.memref_slice %arg3[%mul3A_2] : memref<409600xi32, #tpu.memory_space<hbm>> -> memref<12800xi32, #tpu.memory_space<hbm>>
      %dma_start3A_106 = tpu.memref_slice %arg3[%mul3A_2] : memref<409600xi32, #tpu.memory_space<hbm>> -> memref<12800xi32, #tpu.memory_space<hbm>>
      tpu.enqueue_dma source(%dma_start3A_106 : memref<12800xi32, #tpu.memory_space<hbm>>) target(%arg6 : memref<12800xi32, #tpu.memory_space<vmem>>) target_semaphore(%run_scoped3A : memref<!tpu.dma_semaphore, #tpu.memory_space<semaphore_mem>>)
      %dma_wait3A_107 = tpu.memref_slice %arg3[%mul3A_2] : memref<409600xi32, #tpu.memory_space<hbm>> -> memref<12800xi32, #tpu.memory_space<hbm>>
      %dma_wait3A_108 = tpu.memref_slice %arg3[%mul3A_2] : memref<409600xi32, #tpu.memory_space<hbm>> -> memref<12800xi32, #tpu.memory_space<hbm>>
      tpu.wait_dma2 semaphore(%run_scoped3A : memref<!tpu.dma_semaphore, #tpu.memory_space<semaphore_mem>>) src(%dma_wait3A_108 : memref<12800xi32, #tpu.memory_space<hbm>>) dst(%arg6 : memref<12800xi32, #tpu.memory_space<vmem>>)
      tpu.yield
    }) : () -> ()
    %add3A_5 = arith.constant 0 : i32
    %add3A_6 = arith.addi %mul3A_2, %add3A_5 : i32
    %dma_start3A = arith.constant 0 : i32
    %dma_start3A_7 = arith.constant 0 : i32
    %dma_start3A_8 = arith.constant 0 : i32
    %dma_start3A_9 = arith.constant 0 : i32
    %dma_start3A_10 = tpu.memref_slice %arg7[%dma_start3A, %dma_start3A_8, %dma_start3A_9] : memref<2x128x128xf32, #tpu.memory_space<vmem>> -> memref<1x128x128xf32, #tpu.memory_space<vmem>>
    %dma_start3A_11 = tpu.memref_squeeze %dma_start3A_10 : memref<1x128x128xf32, #tpu.memory_space<vmem>> -> memref<128x128xf32, #tpu.memory_space<vmem>>
    %dma_start3A_12 = arith.constant 0 : i32
    %dma_start3A_13 = tpu.memref_slice %arg6[%dma_start3A_12] : memref<12800xi32, #tpu.memory_space<vmem>> -> memref<128xi32, #tpu.memory_space<vmem>>
    %dma_start3A_14 = arith.constant 0 : i32
    %dma_start3A_15 = arith.constant 0 : i32
    %dma_start3A_16 = tpu.memref_slice %arg10[%dma_start3A_14, %dma_start3A_15] : memref<256x128xf32, #tpu.memory_space<vmem_shared>> -> memref<256x128xf32, #tpu.memory_space<vmem_shared>>
    %dma_start3A_17 = tpu.memref_slice %arg11[%dma_start3A_7] : memref<2x!tpu.dma_semaphore, #tpu.memory_space<semaphore_mem>> -> memref<1x!tpu.dma_semaphore, #tpu.memory_space<semaphore_mem>>
    %dma_start3A_18 = tpu.memref_squeeze %dma_start3A_17 : memref<1x!tpu.dma_semaphore, #tpu.memory_space<semaphore_mem>> -> memref<!tpu.dma_semaphore, #tpu.memory_space<semaphore_mem>>
    tpu.enqueue_indirect_dma source(%dma_start3A_16 : memref<256x128xf32, #tpu.memory_space<vmem_shared>>) target(%dma_start3A_11 : memref<128x128xf32, #tpu.memory_space<vmem>>) offsets(%dma_start3A_13 : memref<128xi32, #tpu.memory_space<vmem>>) semaphore(%dma_start3A_18 : memref<!tpu.dma_semaphore, #tpu.memory_space<semaphore_mem>>)
    %dma_start3A_19 = arith.constant 0 : i32
    %dma_start3A_20 = arith.constant 0 : i32
    %dma_start3A_21 = arith.constant 0 : i32
    %dma_start3A_22 = arith.constant 0 : i32
    %dma_start3A_23 = tpu.memref_slice %arg8[%dma_start3A_19, %dma_start3A_21, %dma_start3A_22] : memref<2x128x128xf32, #tpu.memory_space<vmem>> -> memref<1x128x128xf32, #tpu.memory_space<vmem>>
    %dma_start3A_24 = tpu.memref_squeeze %dma_start3A_23 : memref<1x128x128xf32, #tpu.memory_space<vmem>> -> memref<128x128xf32, #tpu.memory_space<vmem>>
    %dma_start3A_25 = arith.constant 0 : i32
    %dma_start3A_26 = tpu.memref_slice %arg2[%add3A_6, %dma_start3A_25] : memref<409600x128xf32, #tpu.memory_space<hbm>> -> memref<128x128xf32, #tpu.memory_space<hbm>>
    %dma_start3A_27 = tpu.memref_slice %arg12[%dma_start3A_20] : memref<2x!tpu.dma_semaphore, #tpu.memory_space<semaphore_mem>> -> memref<1x!tpu.dma_semaphore, #tpu.memory_space<semaphore_mem>>
    %dma_start3A_28 = tpu.memref_squeeze %dma_start3A_27 : memref<1x!tpu.dma_semaphore, #tpu.memory_space<semaphore_mem>> -> memref<!tpu.dma_semaphore, #tpu.memory_space<semaphore_mem>>
    %dma_start3A_29 = arith.constant 0 : i32
    %dma_start3A_30 = arith.constant 0 : i32
    %dma_start3A_31 = tpu.memref_slice %arg8[%dma_start3A_19, %dma_start3A_29, %dma_start3A_30] : memref<2x128x128xf32, #tpu.memory_space<vmem>> -> memref<1x128x128xf32, #tpu.memory_space<vmem>>
    %dma_start3A_32 = tpu.memref_squeeze %dma_start3A_31 : memref<1x128x128xf32, #tpu.memory_space<vmem>> -> memref<128x128xf32, #tpu.memory_space<vmem>>
    %dma_start3A_33 = arith.constant 0 : i32
    %dma_start3A_34 = tpu.memref_slice %arg2[%add3A_6, %dma_start3A_33] : memref<409600x128xf32, #tpu.memory_space<hbm>> -> memref<128x128xf32, #tpu.memory_space<hbm>>
    tpu.enqueue_dma source(%dma_start3A_34 : memref<128x128xf32, #tpu.memory_space<hbm>>) target(%dma_start3A_32 : memref<128x128xf32, #tpu.memory_space<vmem>>) target_semaphore(%dma_start3A_28 : memref<!tpu.dma_semaphore, #tpu.memory_space<semaphore_mem>>)
    %add3A_35 = arith.constant 128 : i32
    %add3A_36 = arith.addi %mul3A_2, %add3A_35 : i32
    %dma_start3A_37 = arith.constant 1 : i32
    %dma_start3A_38 = arith.constant 1 : i32
    %dma_start3A_39 = arith.constant 0 : i32
    %dma_start3A_40 = arith.constant 0 : i32
    %dma_start3A_41 = tpu.memref_slice %arg7[%dma_start3A_37, %dma_start3A_39, %dma_start3A_40] : memref<2x128x128xf32, #tpu.memory_space<vmem>> -> memref<1x128x128xf32, #tpu.memory_space<vmem>>
    %dma_start3A_42 = tpu.memref_squeeze %dma_start3A_41 : memref<1x128x128xf32, #tpu.memory_space<vmem>> -> memref<128x128xf32, #tpu.memory_space<vmem>>
    %dma_start3A_43 = arith.constant 128 : i32
    %dma_start3A_44 = tpu.memref_slice %arg6[%dma_start3A_43] : memref<12800xi32, #tpu.memory_space<vmem>> -> memref<128xi32, #tpu.memory_space<vmem>>
    %dma_start3A_45 = arith.constant 0 : i32
    %dma_start3A_46 = arith.constant 0 : i32
    %dma_start3A_47 = tpu.memref_slice %arg10[%dma_start3A_45, %dma_start3A_46] : memref<256x128xf32, #tpu.memory_space<vmem_shared>> -> memref<256x128xf32, #tpu.memory_space<vmem_shared>>
    %dma_start3A_48 = tpu.memref_slice %arg11[%dma_start3A_38] : memref<2x!tpu.dma_semaphore, #tpu.memory_space<semaphore_mem>> -> memref<1x!tpu.dma_semaphore, #tpu.memory_space<semaphore_mem>>
    %dma_start3A_49 = tpu.memref_squeeze %dma_start3A_48 : memref<1x!tpu.dma_semaphore, #tpu.memory_space<semaphore_mem>> -> memref<!tpu.dma_semaphore, #tpu.memory_space<semaphore_mem>>
    tpu.enqueue_indirect_dma source(%dma_start3A_47 : memref<256x128xf32, #tpu.memory_space<vmem_shared>>) target(%dma_start3A_42 : memref<128x128xf32, #tpu.memory_space<vmem>>) offsets(%dma_start3A_44 : memref<128xi32, #tpu.memory_space<vmem>>) semaphore(%dma_start3A_49 : memref<!tpu.dma_semaphore, #tpu.memory_space<semaphore_mem>>)
    %dma_start3A_50 = arith.constant 1 : i32
    %dma_start3A_51 = arith.constant 1 : i32
    %dma_start3A_52 = arith.constant 0 : i32
    %dma_start3A_53 = arith.constant 0 : i32
    %dma_start3A_54 = tpu.memref_slice %arg8[%dma_start3A_50, %dma_start3A_52, %dma_start3A_53] : memref<2x128x128xf32, #tpu.memory_space<vmem>> -> memref<1x128x128xf32, #tpu.memory_space<vmem>>
    %dma_start3A_55 = tpu.memref_squeeze %dma_start3A_54 : memref<1x128x128xf32, #tpu.memory_space<vmem>> -> memref<128x128xf32, #tpu.memory_space<vmem>>
    %dma_start3A_56 = arith.constant 0 : i32
    %dma_start3A_57 = tpu.memref_slice %arg2[%add3A_36, %dma_start3A_56] : memref<409600x128xf32, #tpu.memory_space<hbm>> -> memref<128x128xf32, #tpu.memory_space<hbm>>
    %dma_start3A_58 = tpu.memref_slice %arg12[%dma_start3A_51] : memref<2x!tpu.dma_semaphore, #tpu.memory_space<semaphore_mem>> -> memref<1x!tpu.dma_semaphore, #tpu.memory_space<semaphore_mem>>
    %dma_start3A_59 = tpu.memref_squeeze %dma_start3A_58 : memref<1x!tpu.dma_semaphore, #tpu.memory_space<semaphore_mem>> -> memref<!tpu.dma_semaphore, #tpu.memory_space<semaphore_mem>>
    %dma_start3A_60 = arith.constant 0 : i32
    %dma_start3A_61 = arith.constant 0 : i32
    %dma_start3A_62 = tpu.memref_slice %arg8[%dma_start3A_50, %dma_start3A_60, %dma_start3A_61] : memref<2x128x128xf32, #tpu.memory_space<vmem>> -> memref<1x128x128xf32, #tpu.memory_space<vmem>>
    %dma_start3A_63 = tpu.memref_squeeze %dma_start3A_62 : memref<1x128x128xf32, #tpu.memory_space<vmem>> -> memref<128x128xf32, #tpu.memory_space<vmem>>
    %dma_start3A_64 = arith.constant 0 : i32
    %dma_start3A_65 = tpu.memref_slice %arg2[%add3A_36, %dma_start3A_64] : memref<409600x128xf32, #tpu.memory_space<hbm>> -> memref<128x128xf32, #tpu.memory_space<hbm>>
    tpu.enqueue_dma source(%dma_start3A_65 : memref<128x128xf32, #tpu.memory_space<hbm>>) target(%dma_start3A_63 : memref<128x128xf32, #tpu.memory_space<vmem>>) target_semaphore(%dma_start3A_59 : memref<!tpu.dma_semaphore, #tpu.memory_space<semaphore_mem>>)
    %scan3A = arith.constant 0 : i32
    %scan3A_66 = arith.constant 50 : i32
    %scan3A_67 = arith.addi %scan3A, %scan3A_66 : i32
    %scan3A_68 = arith.constant 1 : i32
    scf.for %scan3A_105 = %scan3A to %scan3A_67 step %scan3A_68  : i32 {
      %mul3A_106 = arith.constant 1 : i32
      %mul3A_107 = arith.muli %scan3A_105, %mul3A_106 : i32
      %add3A_108 = arith.constant 0 : i32
      %add3A_109 = arith.addi %add3A_108, %mul3A_107 : i32
      %mul3A_110 = arith.constant 2 : i32
      %mul3A_111 = arith.muli %add3A_109, %mul3A_110 : i32
      %add3A_112 = arith.constant 0 : i32
      %add3A_113 = arith.addi %mul3A_111, %add3A_112 : i32
      %dma_wait3A_114 = arith.constant 0 : i32
      %dma_wait3A_115 = arith.constant 0 : i32
      %dma_wait3A_116 = arith.constant 0 : i32
      %dma_wait3A_117 = arith.constant 0 : i32
      %dma_wait3A_118 = tpu.memref_slice %arg8[%dma_wait3A_114, %dma_wait3A_116, %dma_wait3A_117] : memref<2x128x128xf32, #tpu.memory_space<vmem>> -> memref<1x128x128xf32, #tpu.memory_space<vmem>>
      %dma_wait3A_119 = tpu.memref_squeeze %dma_wait3A_118 : memref<1x128x128xf32, #tpu.memory_space<vmem>> -> memref<128x128xf32, #tpu.memory_space<vmem>>
      %dma_wait3A_120 = arith.constant 0 : i32
      %dma_wait3A_121 = arith.constant 0 : i32
      %dma_wait3A_122 = tpu.memref_slice %arg2[%dma_wait3A_120, %dma_wait3A_121] : memref<409600x128xf32, #tpu.memory_space<hbm>> -> memref<128x128xf32, #tpu.memory_space<hbm>>
      %dma_wait3A_123 = tpu.memref_slice %arg12[%dma_wait3A_115] : memref<2x!tpu.dma_semaphore, #tpu.memory_space<semaphore_mem>> -> memref<1x!tpu.dma_semaphore, #tpu.memory_space<semaphore_mem>>
      %dma_wait3A_124 = tpu.memref_squeeze %dma_wait3A_123 : memref<1x!tpu.dma_semaphore, #tpu.memory_space<semaphore_mem>> -> memref<!tpu.dma_semaphore, #tpu.memory_space<semaphore_mem>>
      %dma_wait3A_125 = arith.constant 0 : i32
      %dma_wait3A_126 = arith.constant 0 : i32
      %dma_wait3A_127 = tpu.memref_slice %arg8[%dma_wait3A_114, %dma_wait3A_125, %dma_wait3A_126] : memref<2x128x128xf32, #tpu.memory_space<vmem>> -> memref<1x128x128xf32, #tpu.memory_space<vmem>>
      %dma_wait3A_128 = tpu.memref_squeeze %dma_wait3A_127 : memref<1x128x128xf32, #tpu.memory_space<vmem>> -> memref<128x128xf32, #tpu.memory_space<vmem>>
      %dma_wait3A_129 = arith.constant 0 : i32
      %dma_wait3A_130 = arith.constant 0 : i32
      %dma_wait3A_131 = tpu.memref_slice %arg2[%dma_wait3A_129, %dma_wait3A_130] : memref<409600x128xf32, #tpu.memory_space<hbm>> -> memref<128x128xf32, #tpu.memory_space<hbm>>
      tpu.wait_dma2 semaphore(%dma_wait3A_124 : memref<!tpu.dma_semaphore, #tpu.memory_space<semaphore_mem>>) src(%dma_wait3A_131 : memref<128x128xf32, #tpu.memory_space<hbm>>) dst(%dma_wait3A_128 : memref<128x128xf32, #tpu.memory_space<vmem>>)
      %mul3A_132 = arith.constant 128 : i32
      %mul3A_133 = arith.muli %add3A_113, %mul3A_132 : i32
      %dma_wait3A_134 = arith.constant 0 : i32
      %dma_wait3A_135 = arith.constant 0 : i32
      %dma_wait3A_136 = arith.constant 0 : i32
      %dma_wait3A_137 = arith.constant 0 : i32
      %dma_wait3A_138 = tpu.memref_slice %arg7[%dma_wait3A_134, %dma_wait3A_136, %dma_wait3A_137] : memref<2x128x128xf32, #tpu.memory_space<vmem>> -> memref<1x128x128xf32, #tpu.memory_space<vmem>>
      %dma_wait3A_139 = tpu.memref_squeeze %dma_wait3A_138 : memref<1x128x128xf32, #tpu.memory_space<vmem>> -> memref<128x128xf32, #tpu.memory_space<vmem>>
      %dma_wait3A_140 = tpu.memref_slice %arg6[%mul3A_133] : memref<12800xi32, #tpu.memory_space<vmem>> -> memref<128xi32, #tpu.memory_space<vmem>>
      %dma_wait3A_141 = arith.constant 0 : i32
      %dma_wait3A_142 = arith.constant 0 : i32
      %dma_wait3A_143 = tpu.memref_slice %arg10[%dma_wait3A_141, %dma_wait3A_142] : memref<256x128xf32, #tpu.memory_space<vmem_shared>> -> memref<256x128xf32, #tpu.memory_space<vmem_shared>>
      %dma_wait3A_144 = tpu.memref_slice %arg11[%dma_wait3A_135] : memref<2x!tpu.dma_semaphore, #tpu.memory_space<semaphore_mem>> -> memref<1x!tpu.dma_semaphore, #tpu.memory_space<semaphore_mem>>
      %dma_wait3A_145 = tpu.memref_squeeze %dma_wait3A_144 : memref<1x!tpu.dma_semaphore, #tpu.memory_space<semaphore_mem>> -> memref<!tpu.dma_semaphore, #tpu.memory_space<semaphore_mem>>
      tpu.wait_indirect_dma semaphore(%dma_wait3A_145 : memref<!tpu.dma_semaphore, #tpu.memory_space<semaphore_mem>>) src(%dma_wait3A_143 : memref<256x128xf32, #tpu.memory_space<vmem_shared>>) dst(%dma_wait3A_139 : memref<128x128xf32, #tpu.memory_space<vmem>>)
      %ge3A = arith.constant 2 : i32
      %ge3A_146 = arith.cmpi sge, %add3A_113, %ge3A : i32
      %convert_element_type3A_147 = arith.extui %ge3A_146 : i1 to i32
      %cond3A_148 = arith.constant 0 : i32
      %cond3A_149 = arith.cmpi ne, %convert_element_type3A_147, %cond3A_148 : i32
      scf.if %cond3A_149 {
        %dma_wait3A_247 = arith.constant 0 : i32
        %dma_wait3A_248 = arith.constant 0 : i32
        %dma_wait3A_249 = arith.constant 0 : i32
        %dma_wait3A_250 = arith.constant 0 : i32
        %dma_wait3A_251 = tpu.memref_slice %arg9[%dma_wait3A_247, %dma_wait3A_249, %dma_wait3A_250] : memref<2x128x128xf32, #tpu.memory_space<vmem>> -> memref<1x128x128xf32, #tpu.memory_space<vmem>>
        %dma_wait3A_252 = tpu.memref_squeeze %dma_wait3A_251 : memref<1x128x128xf32, #tpu.memory_space<vmem>> -> memref<128x128xf32, #tpu.memory_space<vmem>>
        %dma_wait3A_253 = arith.constant 0 : i32
        %dma_wait3A_254 = arith.constant 0 : i32
        %dma_wait3A_255 = tpu.memref_slice %arg5[%dma_wait3A_253, %dma_wait3A_254] : memref<409600x128xf32, #tpu.memory_space<hbm>> -> memref<128x128xf32, #tpu.memory_space<hbm>>
        %dma_wait3A_256 = tpu.memref_slice %arg13[%dma_wait3A_248] : memref<2x!tpu.dma_semaphore, #tpu.memory_space<semaphore_mem>> -> memref<1x!tpu.dma_semaphore, #tpu.memory_space<semaphore_mem>>
        %dma_wait3A_257 = tpu.memref_squeeze %dma_wait3A_256 : memref<1x!tpu.dma_semaphore, #tpu.memory_space<semaphore_mem>> -> memref<!tpu.dma_semaphore, #tpu.memory_space<semaphore_mem>>
        %dma_wait3A_258 = arith.constant 0 : i32
        %dma_wait3A_259 = arith.constant 0 : i32
        %dma_wait3A_260 = tpu.memref_slice %arg5[%dma_wait3A_258, %dma_wait3A_259] : memref<409600x128xf32, #tpu.memory_space<hbm>> -> memref<128x128xf32, #tpu.memory_space<hbm>>
        %dma_wait3A_261 = arith.constant 0 : i32
        %dma_wait3A_262 = arith.constant 0 : i32
        %dma_wait3A_263 = tpu.memref_slice %arg9[%dma_wait3A_247, %dma_wait3A_261, %dma_wait3A_262] : memref<2x128x128xf32, #tpu.memory_space<vmem>> -> memref<1x128x128xf32, #tpu.memory_space<vmem>>
        %dma_wait3A_264 = tpu.memref_squeeze %dma_wait3A_263 : memref<1x128x128xf32, #tpu.memory_space<vmem>> -> memref<128x128xf32, #tpu.memory_space<vmem>>
        tpu.wait_dma2 semaphore(%dma_wait3A_257 : memref<!tpu.dma_semaphore, #tpu.memory_space<semaphore_mem>>) src(%dma_wait3A_264 : memref<128x128xf32, #tpu.memory_space<vmem>>) dst(%dma_wait3A_260 : memref<128x128xf32, #tpu.memory_space<hbm>>)
      } else {
      }
      %parallel_loop3A = arith.constant 0 : i32
      %parallel_loop3A_150 = arith.constant 128 : i32
      %parallel_loop3A_151 = arith.constant 1 : i32
      scf.for %parallel_loop3A_247 = %parallel_loop3A to %parallel_loop3A_150 step %parallel_loop3A_151  : i32 {
        %parallel_loop3A_248 = arith.constant 0 : i32
        %parallel_loop3A_249 = arith.index_cast %parallel_loop3A_248 : i32 to index
        %parallel_loop3A_250 = arith.index_cast %parallel_loop3A_247 : i32 to index
        %parallel_loop3A_251 = arith.constant 0 : index
        %parallel_loop3A_252 = tpu.vector_load %arg8[%parallel_loop3A_249, %parallel_loop3A_250, %parallel_loop3A_251] {strides = array<i32>} : memref<2x128x128xf32, #tpu.memory_space<vmem>>, vector<1x1x16xf32>,
        %parallel_loop3A_253 = vector.shape_cast %parallel_loop3A_252 : vector<1x1x16xf32> to vector<16xf32>
        %parallel_loop3A_254 = arith.constant 0 : i32
        %parallel_loop3A_255 = arith.index_cast %parallel_loop3A_254 : i32 to index
        %parallel_loop3A_256 = arith.index_cast %parallel_loop3A_247 : i32 to index
        %parallel_loop3A_257 = arith.constant 0 : index
        %parallel_loop3A_258 = tpu.vector_load %arg7[%parallel_loop3A_255, %parallel_loop3A_256, %parallel_loop3A_257] {strides = array<i32>} : memref<2x128x128xf32, #tpu.memory_space<vmem>>, vector<1x1x16xf32>,
        %parallel_loop3A_259 = vector.shape_cast %parallel_loop3A_258 : vector<1x1x16xf32> to vector<16xf32>
        %parallel_loop3A_260 = arith.addf %parallel_loop3A_253, %parallel_loop3A_259 : vector<16xf32>
        %parallel_loop3A_261 = arith.constant 0 : i32
        %parallel_loop3A_262 = arith.index_cast %parallel_loop3A_261 : i32 to index
        %parallel_loop3A_263 = arith.index_cast %parallel_loop3A_247 : i32 to index
        %parallel_loop3A_264 = arith.constant 0 : index
        %parallel_loop3A_265 = tpu.vector_load %arg9[%parallel_loop3A_262, %parallel_loop3A_263, %parallel_loop3A_264] {strides = array<i32>} : memref<2x128x128xf32, #tpu.memory_space<vmem>>, vector<1x1x16xf32>,
        %parallel_loop3A_266 = vector.shape_cast %parallel_loop3A_265 : vector<1x1x16xf32> to vector<16xf32>
        %parallel_loop3A_267 = vector.shape_cast %parallel_loop3A_260 : vector<16xf32> to vector<1x1x16xf32>
        tpu.vector_store %arg9[%parallel_loop3A_262, %parallel_loop3A_263, %parallel_loop3A_264], %parallel_loop3A_267 {strides = array<i32>} : memref<2x128x128xf32, #tpu.memory_space<vmem>>, vector<1x1x16xf32>,
        %parallel_loop3A_268 = arith.constant 0 : i32
        %parallel_loop3A_269 = arith.index_cast %parallel_loop3A_268 : i32 to index
        %parallel_loop3A_270 = arith.index_cast %parallel_loop3A_247 : i32 to index
        %parallel_loop3A_271 = arith.constant 16 : index
        %parallel_loop3A_272 = tpu.vector_load %arg8[%parallel_loop3A_269, %parallel_loop3A_270, %parallel_loop3A_271] {strides = array<i32>} : memref<2x128x128xf32, #tpu.memory_space<vmem>>, vector<1x1x16xf32>,
        %parallel_loop3A_273 = vector.shape_cast %parallel_loop3A_272 : vector<1x1x16xf32> to vector<16xf32>
        %parallel_loop3A_274 = arith.constant 0 : i32
        %parallel_loop3A_275 = arith.index_cast %parallel_loop3A_274 : i32 to index
        %parallel_loop3A_276 = arith.index_cast %parallel_loop3A_247 : i32 to index
        %parallel_loop3A_277 = arith.constant 16 : index
        %parallel_loop3A_278 = tpu.vector_load %arg7[%parallel_loop3A_275, %parallel_loop3A_276, %parallel_loop3A_277] {strides = array<i32>} : memref<2x128x128xf32, #tpu.memory_space<vmem>>, vector<1x1x16xf32>,
        %parallel_loop3A_279 = vector.shape_cast %parallel_loop3A_278 : vector<1x1x16xf32> to vector<16xf32>
        %parallel_loop3A_280 = arith.addf %parallel_loop3A_273, %parallel_loop3A_279 : vector<16xf32>
        %parallel_loop3A_281 = arith.constant 0 : i32
        %parallel_loop3A_282 = arith.index_cast %parallel_loop3A_281 : i32 to index
        %parallel_loop3A_283 = arith.index_cast %parallel_loop3A_247 : i32 to index
        %parallel_loop3A_284 = arith.constant 16 : index
        %parallel_loop3A_285 = tpu.vector_load %arg9[%parallel_loop3A_282, %parallel_loop3A_283, %parallel_loop3A_284] {strides = array<i32>} : memref<2x128x128xf32, #tpu.memory_space<vmem>>, vector<1x1x16xf32>,
        %parallel_loop3A_286 = vector.shape_cast %parallel_loop3A_285 : vector<1x1x16xf32> to vector<16xf32>
        %parallel_loop3A_287 = vector.shape_cast %parallel_loop3A_280 : vector<16xf32> to vector<1x1x16xf32>
        tpu.vector_store %arg9[%parallel_loop3A_282, %parallel_loop3A_283, %parallel_loop3A_284], %parallel_loop3A_287 {strides = array<i32>} : memref<2x128x128xf32, #tpu.memory_space<vmem>>, vector<1x1x16xf32>,
        %parallel_loop3A_288 = arith.constant 0 : i32
        %parallel_loop3A_289 = arith.index_cast %parallel_loop3A_288 : i32 to index
        %parallel_loop3A_290 = arith.index_cast %parallel_loop3A_247 : i32 to index
        %parallel_loop3A_291 = arith.constant 32 : index
        %parallel_loop3A_292 = tpu.vector_load %arg8[%parallel_loop3A_289, %parallel_loop3A_290, %parallel_loop3A_291] {strides = array<i32>} : memref<2x128x128xf32, #tpu.memory_space<vmem>>, vector<1x1x16xf32>,
        %parallel_loop3A_293 = vector.shape_cast %parallel_loop3A_292 : vector<1x1x16xf32> to vector<16xf32>
        %parallel_loop3A_294 = arith.constant 0 : i32
        %parallel_loop3A_295 = arith.index_cast %parallel_loop3A_294 : i32 to index
        %parallel_loop3A_296 = arith.index_cast %parallel_loop3A_247 : i32 to index
        %parallel_loop3A_297 = arith.constant 32 : index
        %parallel_loop3A_298 = tpu.vector_load %arg7[%parallel_loop3A_295, %parallel_loop3A_296, %parallel_loop3A_297] {strides = array<i32>} : memref<2x128x128xf32, #tpu.memory_space<vmem>>, vector<1x1x16xf32>,
        %parallel_loop3A_299 = vector.shape_cast %parallel_loop3A_298 : vector<1x1x16xf32> to vector<16xf32>
        %parallel_loop3A_300 = arith.addf %parallel_loop3A_293, %parallel_loop3A_299 : vector<16xf32>
        %parallel_loop3A_301 = arith.constant 0 : i32
        %parallel_loop3A_302 = arith.index_cast %parallel_loop3A_301 : i32 to index
        %parallel_loop3A_303 = arith.index_cast %parallel_loop3A_247 : i32 to index
        %parallel_loop3A_304 = arith.constant 32 : index
        %parallel_loop3A_305 = tpu.vector_load %arg9[%parallel_loop3A_302, %parallel_loop3A_303, %parallel_loop3A_304] {strides = array<i32>} : memref<2x128x128xf32, #tpu.memory_space<vmem>>, vector<1x1x16xf32>,
        %parallel_loop3A_306 = vector.shape_cast %parallel_loop3A_305 : vector<1x1x16xf32> to vector<16xf32>
        %parallel_loop3A_307 = vector.shape_cast %parallel_loop3A_300 : vector<16xf32> to vector<1x1x16xf32>
        tpu.vector_store %arg9[%parallel_loop3A_302, %parallel_loop3A_303, %parallel_loop3A_304], %parallel_loop3A_307 {strides = array<i32>} : memref<2x128x128xf32, #tpu.memory_space<vmem>>, vector<1x1x16xf32>,
        %parallel_loop3A_308 = arith.constant 0 : i32
        %parallel_loop3A_309 = arith.index_cast %parallel_loop3A_308 : i32 to index
        %parallel_loop3A_310 = arith.index_cast %parallel_loop3A_247 : i32 to index
        %parallel_loop3A_311 = arith.constant 48 : index
        %parallel_loop3A_312 = tpu.vector_load %arg8[%parallel_loop3A_309, %parallel_loop3A_310, %parallel_loop3A_311] {strides = array<i32>} : memref<2x128x128xf32, #tpu.memory_space<vmem>>, vector<1x1x16xf32>,
        %parallel_loop3A_313 = vector.shape_cast %parallel_loop3A_312 : vector<1x1x16xf32> to vector<16xf32>
        %parallel_loop3A_314 = arith.constant 0 : i32
        %parallel_loop3A_315 = arith.index_cast %parallel_loop3A_314 : i32 to index
        %parallel_loop3A_316 = arith.index_cast %parallel_loop3A_247 : i32 to index
        %parallel_loop3A_317 = arith.constant 48 : index
        %parallel_loop3A_318 = tpu.vector_load %arg7[%parallel_loop3A_315, %parallel_loop3A_316, %parallel_loop3A_317] {strides = array<i32>} : memref<2x128x128xf32, #tpu.memory_space<vmem>>, vector<1x1x16xf32>,
        %parallel_loop3A_319 = vector.shape_cast %parallel_loop3A_318 : vector<1x1x16xf32> to vector<16xf32>
        %parallel_loop3A_320 = arith.addf %parallel_loop3A_313, %parallel_loop3A_319 : vector<16xf32>
        %parallel_loop3A_321 = arith.constant 0 : i32
        %parallel_loop3A_322 = arith.index_cast %parallel_loop3A_321 : i32 to index
        %parallel_loop3A_323 = arith.index_cast %parallel_loop3A_247 : i32 to index
        %parallel_loop3A_324 = arith.constant 48 : index
        %parallel_loop3A_325 = tpu.vector_load %arg9[%parallel_loop3A_322, %parallel_loop3A_323, %parallel_loop3A_324] {strides = array<i32>} : memref<2x128x128xf32, #tpu.memory_space<vmem>>, vector<1x1x16xf32>,
        %parallel_loop3A_326 = vector.shape_cast %parallel_loop3A_325 : vector<1x1x16xf32> to vector<16xf32>
        %parallel_loop3A_327 = vector.shape_cast %parallel_loop3A_320 : vector<16xf32> to vector<1x1x16xf32>
        tpu.vector_store %arg9[%parallel_loop3A_322, %parallel_loop3A_323, %parallel_loop3A_324], %parallel_loop3A_327 {strides = array<i32>} : memref<2x128x128xf32, #tpu.memory_space<vmem>>, vector<1x1x16xf32>,
        %parallel_loop3A_328 = arith.constant 0 : i32
        %parallel_loop3A_329 = arith.index_cast %parallel_loop3A_328 : i32 to index
        %parallel_loop3A_330 = arith.index_cast %parallel_loop3A_247 : i32 to index
        %parallel_loop3A_331 = arith.constant 64 : index
        %parallel_loop3A_332 = tpu.vector_load %arg8[%parallel_loop3A_329, %parallel_loop3A_330, %parallel_loop3A_331] {strides = array<i32>} : memref<2x128x128xf32, #tpu.memory_space<vmem>>, vector<1x1x16xf32>,
        %parallel_loop3A_333 = vector.shape_cast %parallel_loop3A_332 : vector<1x1x16xf32> to vector<16xf32>
        %parallel_loop3A_334 = arith.constant 0 : i32
        %parallel_loop3A_335 = arith.index_cast %parallel_loop3A_334 : i32 to index
        %parallel_loop3A_336 = arith.index_cast %parallel_loop3A_247 : i32 to index
        %parallel_loop3A_337 = arith.constant 64 : index
        %parallel_loop3A_338 = tpu.vector_load %arg7[%parallel_loop3A_335, %parallel_loop3A_336, %parallel_loop3A_337] {strides = array<i32>} : memref<2x128x128xf32, #tpu.memory_space<vmem>>, vector<1x1x16xf32>,
        %parallel_loop3A_339 = vector.shape_cast %parallel_loop3A_338 : vector<1x1x16xf32> to vector<16xf32>
        %parallel_loop3A_340 = arith.addf %parallel_loop3A_333, %parallel_loop3A_339 : vector<16xf32>
        %parallel_loop3A_341 = arith.constant 0 : i32
        %parallel_loop3A_342 = arith.index_cast %parallel_loop3A_341 : i32 to index
        %parallel_loop3A_343 = arith.index_cast %parallel_loop3A_247 : i32 to index
        %parallel_loop3A_344 = arith.constant 64 : index
        %parallel_loop3A_345 = tpu.vector_load %arg9[%parallel_loop3A_342, %parallel_loop3A_343, %parallel_loop3A_344] {strides = array<i32>} : memref<2x128x128xf32, #tpu.memory_space<vmem>>, vector<1x1x16xf32>,
        %parallel_loop3A_346 = vector.shape_cast %parallel_loop3A_345 : vector<1x1x16xf32> to vector<16xf32>
        %parallel_loop3A_347 = vector.shape_cast %parallel_loop3A_340 : vector<16xf32> to vector<1x1x16xf32>
        tpu.vector_store %arg9[%parallel_loop3A_342, %parallel_loop3A_343, %parallel_loop3A_344], %parallel_loop3A_347 {strides = array<i32>} : memref<2x128x128xf32, #tpu.memory_space<vmem>>, vector<1x1x16xf32>,
        %parallel_loop3A_348 = arith.constant 0 : i32
        %parallel_loop3A_349 = arith.index_cast %parallel_loop3A_348 : i32 to index
        %parallel_loop3A_350 = arith.index_cast %parallel_loop3A_247 : i32 to index
        %parallel_loop3A_351 = arith.constant 80 : index
        %parallel_loop3A_352 = tpu.vector_load %arg8[%parallel_loop3A_349, %parallel_loop3A_350, %parallel_loop3A_351] {strides = array<i32>} : memref<2x128x128xf32, #tpu.memory_space<vmem>>, vector<1x1x16xf32>,
        %parallel_loop3A_353 = vector.shape_cast %parallel_loop3A_352 : vector<1x1x16xf32> to vector<16xf32>
        %parallel_loop3A_354 = arith.constant 0 : i32
        %parallel_loop3A_355 = arith.index_cast %parallel_loop3A_354 : i32 to index
        %parallel_loop3A_356 = arith.index_cast %parallel_loop3A_247 : i32 to index
        %parallel_loop3A_357 = arith.constant 80 : index
        %parallel_loop3A_358 = tpu.vector_load %arg7[%parallel_loop3A_355, %parallel_loop3A_356, %parallel_loop3A_357] {strides = array<i32>} : memref<2x128x128xf32, #tpu.memory_space<vmem>>, vector<1x1x16xf32>,
        %parallel_loop3A_359 = vector.shape_cast %parallel_loop3A_358 : vector<1x1x16xf32> to vector<16xf32>
        %parallel_loop3A_360 = arith.addf %parallel_loop3A_353, %parallel_loop3A_359 : vector<16xf32>
        %parallel_loop3A_361 = arith.constant 0 : i32
        %parallel_loop3A_362 = arith.index_cast %parallel_loop3A_361 : i32 to index
        %parallel_loop3A_363 = arith.index_cast %parallel_loop3A_247 : i32 to index
        %parallel_loop3A_364 = arith.constant 80 : index
        %parallel_loop3A_365 = tpu.vector_load %arg9[%parallel_loop3A_362, %parallel_loop3A_363, %parallel_loop3A_364] {strides = array<i32>} : memref<2x128x128xf32, #tpu.memory_space<vmem>>, vector<1x1x16xf32>,
        %parallel_loop3A_366 = vector.shape_cast %parallel_loop3A_365 : vector<1x1x16xf32> to vector<16xf32>
        %parallel_loop3A_367 = vector.shape_cast %parallel_loop3A_360 : vector<16xf32> to vector<1x1x16xf32>
        tpu.vector_store %arg9[%parallel_loop3A_362, %parallel_loop3A_363, %parallel_loop3A_364], %parallel_loop3A_367 {strides = array<i32>} : memref<2x128x128xf32, #tpu.memory_space<vmem>>, vector<1x1x16xf32>,
        %parallel_loop3A_368 = arith.constant 0 : i32
        %parallel_loop3A_369 = arith.index_cast %parallel_loop3A_368 : i32 to index
        %parallel_loop3A_370 = arith.index_cast %parallel_loop3A_247 : i32 to index
        %parallel_loop3A_371 = arith.constant 96 : index
        %parallel_loop3A_372 = tpu.vector_load %arg8[%parallel_loop3A_369, %parallel_loop3A_370, %parallel_loop3A_371] {strides = array<i32>} : memref<2x128x128xf32, #tpu.memory_space<vmem>>, vector<1x1x16xf32>,
        %parallel_loop3A_373 = vector.shape_cast %parallel_loop3A_372 : vector<1x1x16xf32> to vector<16xf32>
        %parallel_loop3A_374 = arith.constant 0 : i32
        %parallel_loop3A_375 = arith.index_cast %parallel_loop3A_374 : i32 to index
        %parallel_loop3A_376 = arith.index_cast %parallel_loop3A_247 : i32 to index
        %parallel_loop3A_377 = arith.constant 96 : index
        %parallel_loop3A_378 = tpu.vector_load %arg7[%parallel_loop3A_375, %parallel_loop3A_376, %parallel_loop3A_377] {strides = array<i32>} : memref<2x128x128xf32, #tpu.memory_space<vmem>>, vector<1x1x16xf32>,
        %parallel_loop3A_379 = vector.shape_cast %parallel_loop3A_378 : vector<1x1x16xf32> to vector<16xf32>
        %parallel_loop3A_380 = arith.addf %parallel_loop3A_373, %parallel_loop3A_379 : vector<16xf32>
        %parallel_loop3A_381 = arith.constant 0 : i32
        %parallel_loop3A_382 = arith.index_cast %parallel_loop3A_381 : i32 to index
        %parallel_loop3A_383 = arith.index_cast %parallel_loop3A_247 : i32 to index
        %parallel_loop3A_384 = arith.constant 96 : index
        %parallel_loop3A_385 = tpu.vector_load %arg9[%parallel_loop3A_382, %parallel_loop3A_383, %parallel_loop3A_384] {strides = array<i32>} : memref<2x128x128xf32, #tpu.memory_space<vmem>>, vector<1x1x16xf32>,
        %parallel_loop3A_386 = vector.shape_cast %parallel_loop3A_385 : vector<1x1x16xf32> to vector<16xf32>
        %parallel_loop3A_387 = vector.shape_cast %parallel_loop3A_380 : vector<16xf32> to vector<1x1x16xf32>
        tpu.vector_store %arg9[%parallel_loop3A_382, %parallel_loop3A_383, %parallel_loop3A_384], %parallel_loop3A_387 {strides = array<i32>} : memref<2x128x128xf32, #tpu.memory_space<vmem>>, vector<1x1x16xf32>,
        %parallel_loop3A_388 = arith.constant 0 : i32
        %parallel_loop3A_389 = arith.index_cast %parallel_loop3A_388 : i32 to index
        %parallel_loop3A_390 = arith.index_cast %parallel_loop3A_247 : i32 to index
        %parallel_loop3A_391 = arith.constant 112 : index
        %parallel_loop3A_392 = tpu.vector_load %arg8[%parallel_loop3A_389, %parallel_loop3A_390, %parallel_loop3A_391] {strides = array<i32>} : memref<2x128x128xf32, #tpu.memory_space<vmem>>, vector<1x1x16xf32>,
        %parallel_loop3A_393 = vector.shape_cast %parallel_loop3A_392 : vector<1x1x16xf32> to vector<16xf32>
        %parallel_loop3A_394 = arith.constant 0 : i32
        %parallel_loop3A_395 = arith.index_cast %parallel_loop3A_394 : i32 to index
        %parallel_loop3A_396 = arith.index_cast %parallel_loop3A_247 : i32 to index
        %parallel_loop3A_397 = arith.constant 112 : index
        %parallel_loop3A_398 = tpu.vector_load %arg7[%parallel_loop3A_395, %parallel_loop3A_396, %parallel_loop3A_397] {strides = array<i32>} : memref<2x128x128xf32, #tpu.memory_space<vmem>>, vector<1x1x16xf32>,
        %parallel_loop3A_399 = vector.shape_cast %parallel_loop3A_398 : vector<1x1x16xf32> to vector<16xf32>
        %parallel_loop3A_400 = arith.addf %parallel_loop3A_393, %parallel_loop3A_399 : vector<16xf32>
        %parallel_loop3A_401 = arith.constant 0 : i32
        %parallel_loop3A_402 = arith.index_cast %parallel_loop3A_401 : i32 to index
        %parallel_loop3A_403 = arith.index_cast %parallel_loop3A_247 : i32 to index
        %parallel_loop3A_404 = arith.constant 112 : index
        %parallel_loop3A_405 = tpu.vector_load %arg9[%parallel_loop3A_402, %parallel_loop3A_403, %parallel_loop3A_404] {strides = array<i32>} : memref<2x128x128xf32, #tpu.memory_space<vmem>>, vector<1x1x16xf32>,
        %parallel_loop3A_406 = vector.shape_cast %parallel_loop3A_405 : vector<1x1x16xf32> to vector<16xf32>
        %parallel_loop3A_407 = vector.shape_cast %parallel_loop3A_400 : vector<16xf32> to vector<1x1x16xf32>
        tpu.vector_store %arg9[%parallel_loop3A_402, %parallel_loop3A_403, %parallel_loop3A_404], %parallel_loop3A_407 {strides = array<i32>} : memref<2x128x128xf32, #tpu.memory_space<vmem>>, vector<1x1x16xf32>,
      } {sc.loop_unroll_factor = 8 : i64, sc.parallel_access}
      %mul3A_152 = arith.constant 128 : i32
      %mul3A_153 = arith.muli %add3A_113, %mul3A_152 : i32
      %add3A_154 = arith.addi %mul3A_2, %mul3A_153 : i32
      %dma_start3A_155 = arith.constant 0 : i32
      %dma_start3A_156 = arith.constant 0 : i32
      %dma_start3A_157 = arith.constant 0 : i32
      %dma_start3A_158 = arith.constant 0 : i32
      %dma_start3A_159 = tpu.memref_slice %arg9[%dma_start3A_155, %dma_start3A_157, %dma_start3A_158] : memref<2x128x128xf32, #tpu.memory_space<vmem>> -> memref<1x128x128xf32, #tpu.memory_space<vmem>>
      %dma_start3A_160 = tpu.memref_squeeze %dma_start3A_159 : memref<1x128x128xf32, #tpu.memory_space<vmem>> -> memref<128x128xf32, #tpu.memory_space<vmem>>
      %dma_start3A_161 = arith.constant 0 : i32
      %dma_start3A_162 = tpu.memref_slice %arg5[%add3A_154, %dma_start3A_161] : memref<409600x128xf32, #tpu.memory_space<hbm>> -> memref<128x128xf32, #tpu.memory_space<hbm>>
      %dma_start3A_163 = tpu.memref_slice %arg13[%dma_start3A_156] : memref<2x!tpu.dma_semaphore, #tpu.memory_space<semaphore_mem>> -> memref<1x!tpu.dma_semaphore, #tpu.memory_space<semaphore_mem>>
      %dma_start3A_164 = tpu.memref_squeeze %dma_start3A_163 : memref<1x!tpu.dma_semaphore, #tpu.memory_space<semaphore_mem>> -> memref<!tpu.dma_semaphore, #tpu.memory_space<semaphore_mem>>
      %dma_start3A_165 = arith.constant 0 : i32
      %dma_start3A_166 = tpu.memref_slice %arg5[%add3A_154, %dma_start3A_165] : memref<409600x128xf32, #tpu.memory_space<hbm>> -> memref<128x128xf32, #tpu.memory_space<hbm>>
      %dma_start3A_167 = arith.constant 0 : i32
      %dma_start3A_168 = arith.constant 0 : i32
      %dma_start3A_169 = tpu.memref_slice %arg9[%dma_start3A_155, %dma_start3A_167, %dma_start3A_168] : memref<2x128x128xf32, #tpu.memory_space<vmem>> -> memref<1x128x128xf32, #tpu.memory_space<vmem>>
      %dma_start3A_170 = tpu.memref_squeeze %dma_start3A_169 : memref<1x128x128xf32, #tpu.memory_space<vmem>> -> memref<128x128xf32, #tpu.memory_space<vmem>>
      tpu.enqueue_dma source(%dma_start3A_170 : memref<128x128xf32, #tpu.memory_space<vmem>>) target(%dma_start3A_166 : memref<128x128xf32, #tpu.memory_space<hbm>>) target_semaphore(%dma_start3A_164 : memref<!tpu.dma_semaphore, #tpu.memory_space<semaphore_mem>>)
      %add3A_171 = arith.constant 2 : i32
      %add3A_172 = arith.addi %add3A_113, %add3A_171 : i32
      %lt3A = arith.constant 100 : i32
      %lt3A_173 = arith.cmpi slt, %add3A_172, %lt3A : i32
      %convert_element_type3A_174 = arith.extui %lt3A_173 : i1 to i32
      %cond3A_175 = arith.constant 0 : i32
      %cond3A_176 = arith.cmpi ne, %convert_element_type3A_174, %cond3A_175 : i32
      scf.if %cond3A_176 {
        %add3A_247 = arith.constant 2 : i32
        %add3A_248 = arith.addi %add3A_113, %add3A_247 : i32
        %mul3A_249 = arith.constant 128 : i32
        %mul3A_250 = arith.muli %add3A_248, %mul3A_249 : i32
        %add3A_251 = arith.addi %mul3A_2, %mul3A_250 : i32
        %mul3A_252 = arith.constant 128 : i32
        %mul3A_253 = arith.muli %add3A_248, %mul3A_252 : i32
        %dma_start3A_254 = arith.constant 0 : i32
        %dma_start3A_255 = arith.constant 0 : i32
        %dma_start3A_256 = arith.constant 0 : i32
        %dma_start3A_257 = arith.constant 0 : i32
        %dma_start3A_258 = tpu.memref_slice %arg7[%dma_start3A_254, %dma_start3A_256, %dma_start3A_257] : memref<2x128x128xf32, #tpu.memory_space<vmem>> -> memref<1x128x128xf32, #tpu.memory_space<vmem>>
        %dma_start3A_259 = tpu.memref_squeeze %dma_start3A_258 : memref<1x128x128xf32, #tpu.memory_space<vmem>> -> memref<128x128xf32, #tpu.memory_space<vmem>>
        %dma_start3A_260 = tpu.memref_slice %arg6[%mul3A_253] : memref<12800xi32, #tpu.memory_space<vmem>> -> memref<128xi32, #tpu.memory_space<vmem>>
        %dma_start3A_261 = arith.constant 0 : i32
        %dma_start3A_262 = arith.constant 0 : i32
        %dma_start3A_263 = tpu.memref_slice %arg10[%dma_start3A_261, %dma_start3A_262] : memref<256x128xf32, #tpu.memory_space<vmem_shared>> -> memref<256x128xf32, #tpu.memory_space<vmem_shared>>
        %dma_start3A_264 = tpu.memref_slice %arg11[%dma_start3A_255] : memref<2x!tpu.dma_semaphore, #tpu.memory_space<semaphore_mem>> -> memref<1x!tpu.dma_semaphore, #tpu.memory_space<semaphore_mem>>
        %dma_start3A_265 = tpu.memref_squeeze %dma_start3A_264 : memref<1x!tpu.dma_semaphore, #tpu.memory_space<semaphore_mem>> -> memref<!tpu.dma_semaphore, #tpu.memory_space<semaphore_mem>>
        tpu.enqueue_indirect_dma source(%dma_start3A_263 : memref<256x128xf32, #tpu.memory_space<vmem_shared>>) target(%dma_start3A_259 : memref<128x128xf32, #tpu.memory_space<vmem>>) offsets(%dma_start3A_260 : memref<128xi32, #tpu.memory_space<vmem>>) semaphore(%dma_start3A_265 : memref<!tpu.dma_semaphore, #tpu.memory_space<semaphore_mem>>)
        %dma_start3A_266 = arith.constant 0 : i32
        %dma_start3A_267 = arith.constant 0 : i32
        %dma_start3A_268 = arith.constant 0 : i32
        %dma_start3A_269 = arith.constant 0 : i32
        %dma_start3A_270 = tpu.memref_slice %arg8[%dma_start3A_266, %dma_start3A_268, %dma_start3A_269] : memref<2x128x128xf32, #tpu.memory_space<vmem>> -> memref<1x128x128xf32, #tpu.memory_space<vmem>>
        %dma_start3A_271 = tpu.memref_squeeze %dma_start3A_270 : memref<1x128x128xf32, #tpu.memory_space<vmem>> -> memref<128x128xf32, #tpu.memory_space<vmem>>
        %dma_start3A_272 = arith.constant 0 : i32
        %dma_start3A_273 = tpu.memref_slice %arg2[%add3A_251, %dma_start3A_272] : memref<409600x128xf32, #tpu.memory_space<hbm>> -> memref<128x128xf32, #tpu.memory_space<hbm>>
        %dma_start3A_274 = tpu.memref_slice %arg12[%dma_start3A_267] : memref<2x!tpu.dma_semaphore, #tpu.memory_space<semaphore_mem>> -> memref<1x!tpu.dma_semaphore, #tpu.memory_space<semaphore_mem>>
        %dma_start3A_275 = tpu.memref_squeeze %dma_start3A_274 : memref<1x!tpu.dma_semaphore, #tpu.memory_space<semaphore_mem>> -> memref<!tpu.dma_semaphore, #tpu.memory_space<semaphore_mem>>
        %dma_start3A_276 = arith.constant 0 : i32
        %dma_start3A_277 = arith.constant 0 : i32
        %dma_start3A_278 = tpu.memref_slice %arg8[%dma_start3A_266, %dma_start3A_276, %dma_start3A_277] : memref<2x128x128xf32, #tpu.memory_space<vmem>> -> memref<1x128x128xf32, #tpu.memory_space<vmem>>
        %dma_start3A_279 = tpu.memref_squeeze %dma_start3A_278 : memref<1x128x128xf32, #tpu.memory_space<vmem>> -> memref<128x128xf32, #tpu.memory_space<vmem>>
        %dma_start3A_280 = arith.constant 0 : i32
        %dma_start3A_281 = tpu.memref_slice %arg2[%add3A_251, %dma_start3A_280] : memref<409600x128xf32, #tpu.memory_space<hbm>> -> memref<128x128xf32, #tpu.memory_space<hbm>>
        tpu.enqueue_dma source(%dma_start3A_281 : memref<128x128xf32, #tpu.memory_space<hbm>>) target(%dma_start3A_279 : memref<128x128xf32, #tpu.memory_space<vmem>>) target_semaphore(%dma_start3A_275 : memref<!tpu.dma_semaphore, #tpu.memory_space<semaphore_mem>>)
      } else {
      }
      %mul3A_177 = arith.constant 2 : i32
      %mul3A_178 = arith.muli %add3A_109, %mul3A_177 : i32
      %add3A_179 = arith.constant 1 : i32
      %add3A_180 = arith.addi %mul3A_178, %add3A_179 : i32
      %dma_wait3A_181 = arith.constant 1 : i32
      %dma_wait3A_182 = arith.constant 1 : i32
      %dma_wait3A_183 = arith.constant 0 : i32
      %dma_wait3A_184 = arith.constant 0 : i32
      %dma_wait3A_185 = tpu.memref_slice %arg8[%dma_wait3A_181, %dma_wait3A_183, %dma_wait3A_184] : memref<2x128x128xf32, #tpu.memory_space<vmem>> -> memref<1x128x128xf32, #tpu.memory_space<vmem>>
      %dma_wait3A_186 = tpu.memref_squeeze %dma_wait3A_185 : memref<1x128x128xf32, #tpu.memory_space<vmem>> -> memref<128x128xf32, #tpu.memory_space<vmem>>
      %dma_wait3A_187 = arith.constant 0 : i32
      %dma_wait3A_188 = arith.constant 0 : i32
      %dma_wait3A_189 = tpu.memref_slice %arg2[%dma_wait3A_187, %dma_wait3A_188] : memref<409600x128xf32, #tpu.memory_space<hbm>> -> memref<128x128xf32, #tpu.memory_space<hbm>>
      %dma_wait3A_190 = tpu.memref_slice %arg12[%dma_wait3A_182] : memref<2x!tpu.dma_semaphore, #tpu.memory_space<semaphore_mem>> -> memref<1x!tpu.dma_semaphore, #tpu.memory_space<semaphore_mem>>
      %dma_wait3A_191 = tpu.memref_squeeze %dma_wait3A_190 : memref<1x!tpu.dma_semaphore, #tpu.memory_space<semaphore_mem>> -> memref<!tpu.dma_semaphore, #tpu.memory_space<semaphore_mem>>
      %dma_wait3A_192 = arith.constant 0 : i32
      %dma_wait3A_193 = arith.constant 0 : i32
      %dma_wait3A_194 = tpu.memref_slice %arg8[%dma_wait3A_181, %dma_wait3A_192, %dma_wait3A_193] : memref<2x128x128xf32, #tpu.memory_space<vmem>> -> memref<1x128x128xf32, #tpu.memory_space<vmem>>
      %dma_wait3A_195 = tpu.memref_squeeze %dma_wait3A_194 : memref<1x128x128xf32, #tpu.memory_space<vmem>> -> memref<128x128xf32, #tpu.memory_space<vmem>>
      %dma_wait3A_196 = arith.constant 0 : i32
      %dma_wait3A_197 = arith.constant 0 : i32
      %dma_wait3A_198 = tpu.memref_slice %arg2[%dma_wait3A_196, %dma_wait3A_197] : memref<409600x128xf32, #tpu.memory_space<hbm>> -> memref<128x128xf32, #tpu.memory_space<hbm>>
      tpu.wait_dma2 semaphore(%dma_wait3A_191 : memref<!tpu.dma_semaphore, #tpu.memory_space<semaphore_mem>>) src(%dma_wait3A_198 : memref<128x128xf32, #tpu.memory_space<hbm>>) dst(%dma_wait3A_195 : memref<128x128xf32, #tpu.memory_space<vmem>>)
      %mul3A_199 = arith.constant 128 : i32
      %mul3A_200 = arith.muli %add3A_180, %mul3A_199 : i32
      %dma_wait3A_201 = arith.constant 1 : i32
      %dma_wait3A_202 = arith.constant 1 : i32
      %dma_wait3A_203 = arith.constant 0 : i32
      %dma_wait3A_204 = arith.constant 0 : i32
      %dma_wait3A_205 = tpu.memref_slice %arg7[%dma_wait3A_201, %dma_wait3A_203, %dma_wait3A_204] : memref<2x128x128xf32, #tpu.memory_space<vmem>> -> memref<1x128x128xf32, #tpu.memory_space<vmem>>
      %dma_wait3A_206 = tpu.memref_squeeze %dma_wait3A_205 : memref<1x128x128xf32, #tpu.memory_space<vmem>> -> memref<128x128xf32, #tpu.memory_space<vmem>>
      %dma_wait3A_207 = tpu.memref_slice %arg6[%mul3A_200] : memref<12800xi32, #tpu.memory_space<vmem>> -> memref<128xi32, #tpu.memory_space<vmem>>
      %dma_wait3A_208 = arith.constant 0 : i32
      %dma_wait3A_209 = arith.constant 0 : i32
      %dma_wait3A_210 = tpu.memref_slice %arg10[%dma_wait3A_208, %dma_wait3A_209] : memref<256x128xf32, #tpu.memory_space<vmem_shared>> -> memref<256x128xf32, #tpu.memory_space<vmem_shared>>
      %dma_wait3A_211 = tpu.memref_slice %arg11[%dma_wait3A_202] : memref<2x!tpu.dma_semaphore, #tpu.memory_space<semaphore_mem>> -> memref<1x!tpu.dma_semaphore, #tpu.memory_space<semaphore_mem>>
      %dma_wait3A_212 = tpu.memref_squeeze %dma_wait3A_211 : memref<1x!tpu.dma_semaphore, #tpu.memory_space<semaphore_mem>> -> memref<!tpu.dma_semaphore, #tpu.memory_space<semaphore_mem>>
      tpu.wait_indirect_dma semaphore(%dma_wait3A_212 : memref<!tpu.dma_semaphore, #tpu.memory_space<semaphore_mem>>) src(%dma_wait3A_210 : memref<256x128xf32, #tpu.memory_space<vmem_shared>>) dst(%dma_wait3A_206 : memref<128x128xf32, #tpu.memory_space<vmem>>)
      %ge3A_213 = arith.constant 2 : i32
      %ge3A_214 = arith.cmpi sge, %add3A_180, %ge3A_213 : i32
      %convert_element_type3A_215 = arith.extui %ge3A_214 : i1 to i32
      %cond3A_216 = arith.constant 0 : i32
      %cond3A_217 = arith.cmpi ne, %convert_element_type3A_215, %cond3A_216 : i32
      scf.if %cond3A_217 {
        %dma_wait3A_247 = arith.constant 1 : i32
        %dma_wait3A_248 = arith.constant 1 : i32
        %dma_wait3A_249 = arith.constant 0 : i32
        %dma_wait3A_250 = arith.constant 0 : i32
        %dma_wait3A_251 = tpu.memref_slice %arg9[%dma_wait3A_247, %dma_wait3A_249, %dma_wait3A_250] : memref<2x128x128xf32, #tpu.memory_space<vmem>> -> memref<1x128x128xf32, #tpu.memory_space<vmem>>
        %dma_wait3A_252 = tpu.memref_squeeze %dma_wait3A_251 : memref<1x128x128xf32, #tpu.memory_space<vmem>> -> memref<128x128xf32, #tpu.memory_space<vmem>>
        %dma_wait3A_253 = arith.constant 0 : i32
        %dma_wait3A_254 = arith.constant 0 : i32
        %dma_wait3A_255 = tpu.memref_slice %arg5[%dma_wait3A_253, %dma_wait3A_254] : memref<409600x128xf32, #tpu.memory_space<hbm>> -> memref<128x128xf32, #tpu.memory_space<hbm>>
        %dma_wait3A_256 = tpu.memref_slice %arg13[%dma_wait3A_248] : memref<2x!tpu.dma_semaphore, #tpu.memory_space<semaphore_mem>> -> memref<1x!tpu.dma_semaphore, #tpu.memory_space<semaphore_mem>>
        %dma_wait3A_257 = tpu.memref_squeeze %dma_wait3A_256 : memref<1x!tpu.dma_semaphore, #tpu.memory_space<semaphore_mem>> -> memref<!tpu.dma_semaphore, #tpu.memory_space<semaphore_mem>>
        %dma_wait3A_258 = arith.constant 0 : i32
        %dma_wait3A_259 = arith.constant 0 : i32
        %dma_wait3A_260 = tpu.memref_slice %arg5[%dma_wait3A_258, %dma_wait3A_259] : memref<409600x128xf32, #tpu.memory_space<hbm>> -> memref<128x128xf32, #tpu.memory_space<hbm>>
        %dma_wait3A_261 = arith.constant 0 : i32
        %dma_wait3A_262 = arith.constant 0 : i32
        %dma_wait3A_263 = tpu.memref_slice %arg9[%dma_wait3A_247, %dma_wait3A_261, %dma_wait3A_262] : memref<2x128x128xf32, #tpu.memory_space<vmem>> -> memref<1x128x128xf32, #tpu.memory_space<vmem>>
        %dma_wait3A_264 = tpu.memref_squeeze %dma_wait3A_263 : memref<1x128x128xf32, #tpu.memory_space<vmem>> -> memref<128x128xf32, #tpu.memory_space<vmem>>
        tpu.wait_dma2 semaphore(%dma_wait3A_257 : memref<!tpu.dma_semaphore, #tpu.memory_space<semaphore_mem>>) src(%dma_wait3A_264 : memref<128x128xf32, #tpu.memory_space<vmem>>) dst(%dma_wait3A_260 : memref<128x128xf32, #tpu.memory_space<hbm>>)
      } else {
      }
      %parallel_loop3A_218 = arith.constant 0 : i32
      %parallel_loop3A_219 = arith.constant 128 : i32
      %parallel_loop3A_220 = arith.constant 1 : i32
      scf.for %parallel_loop3A_247 = %parallel_loop3A_218 to %parallel_loop3A_219 step %parallel_loop3A_220  : i32 {
        %parallel_loop3A_248 = arith.constant 1 : i32
        %parallel_loop3A_249 = arith.index_cast %parallel_loop3A_248 : i32 to index
        %parallel_loop3A_250 = arith.index_cast %parallel_loop3A_247 : i32 to index
        %parallel_loop3A_251 = arith.constant 0 : index
        %parallel_loop3A_252 = tpu.vector_load %arg8[%parallel_loop3A_249, %parallel_loop3A_250, %parallel_loop3A_251] {strides = array<i32>} : memref<2x128x128xf32, #tpu.memory_space<vmem>>, vector<1x1x16xf32>,
        %parallel_loop3A_253 = vector.shape_cast %parallel_loop3A_252 : vector<1x1x16xf32> to vector<16xf32>
        %parallel_loop3A_254 = arith.constant 1 : i32
        %parallel_loop3A_255 = arith.index_cast %parallel_loop3A_254 : i32 to index
        %parallel_loop3A_256 = arith.index_cast %parallel_loop3A_247 : i32 to index
        %parallel_loop3A_257 = arith.constant 0 : index
        %parallel_loop3A_258 = tpu.vector_load %arg7[%parallel_loop3A_255, %parallel_loop3A_256, %parallel_loop3A_257] {strides = array<i32>} : memref<2x128x128xf32, #tpu.memory_space<vmem>>, vector<1x1x16xf32>,
        %parallel_loop3A_259 = vector.shape_cast %parallel_loop3A_258 : vector<1x1x16xf32> to vector<16xf32>
        %parallel_loop3A_260 = arith.addf %parallel_loop3A_253, %parallel_loop3A_259 : vector<16xf32>
        %parallel_loop3A_261 = arith.constant 1 : i32
        %parallel_loop3A_262 = arith.index_cast %parallel_loop3A_261 : i32 to index
        %parallel_loop3A_263 = arith.index_cast %parallel_loop3A_247 : i32 to index
        %parallel_loop3A_264 = arith.constant 0 : index
        %parallel_loop3A_265 = tpu.vector_load %arg9[%parallel_loop3A_262, %parallel_loop3A_263, %parallel_loop3A_264] {strides = array<i32>} : memref<2x128x128xf32, #tpu.memory_space<vmem>>, vector<1x1x16xf32>,
        %parallel_loop3A_266 = vector.shape_cast %parallel_loop3A_265 : vector<1x1x16xf32> to vector<16xf32>
        %parallel_loop3A_267 = vector.shape_cast %parallel_loop3A_260 : vector<16xf32> to vector<1x1x16xf32>
        tpu.vector_store %arg9[%parallel_loop3A_262, %parallel_loop3A_263, %parallel_loop3A_264], %parallel_loop3A_267 {strides = array<i32>} : memref<2x128x128xf32, #tpu.memory_space<vmem>>, vector<1x1x16xf32>,
        %parallel_loop3A_268 = arith.constant 1 : i32
        %parallel_loop3A_269 = arith.index_cast %parallel_loop3A_268 : i32 to index
        %parallel_loop3A_270 = arith.index_cast %parallel_loop3A_247 : i32 to index
        %parallel_loop3A_271 = arith.constant 16 : index
        %parallel_loop3A_272 = tpu.vector_load %arg8[%parallel_loop3A_269, %parallel_loop3A_270, %parallel_loop3A_271] {strides = array<i32>} : memref<2x128x128xf32, #tpu.memory_space<vmem>>, vector<1x1x16xf32>,
        %parallel_loop3A_273 = vector.shape_cast %parallel_loop3A_272 : vector<1x1x16xf32> to vector<16xf32>
        %parallel_loop3A_274 = arith.constant 1 : i32
        %parallel_loop3A_275 = arith.index_cast %parallel_loop3A_274 : i32 to index
        %parallel_loop3A_276 = arith.index_cast %parallel_loop3A_247 : i32 to index
        %parallel_loop3A_277 = arith.constant 16 : index
        %parallel_loop3A_278 = tpu.vector_load %arg7[%parallel_loop3A_275, %parallel_loop3A_276, %parallel_loop3A_277] {strides = array<i32>} : memref<2x128x128xf32, #tpu.memory_space<vmem>>, vector<1x1x16xf32>,
        %parallel_loop3A_279 = vector.shape_cast %parallel_loop3A_278 : vector<1x1x16xf32> to vector<16xf32>
        %parallel_loop3A_280 = arith.addf %parallel_loop3A_273, %parallel_loop3A_279 : vector<16xf32>
        %parallel_loop3A_281 = arith.constant 1 : i32
        %parallel_loop3A_282 = arith.index_cast %parallel_loop3A_281 : i32 to index
        %parallel_loop3A_283 = arith.index_cast %parallel_loop3A_247 : i32 to index
        %parallel_loop3A_284 = arith.constant 16 : index
        %parallel_loop3A_285 = tpu.vector_load %arg9[%parallel_loop3A_282, %parallel_loop3A_283, %parallel_loop3A_284] {strides = array<i32>} : memref<2x128x128xf32, #tpu.memory_space<vmem>>, vector<1x1x16xf32>,
        %parallel_loop3A_286 = vector.shape_cast %parallel_loop3A_285 : vector<1x1x16xf32> to vector<16xf32>
        %parallel_loop3A_287 = vector.shape_cast %parallel_loop3A_280 : vector<16xf32> to vector<1x1x16xf32>
        tpu.vector_store %arg9[%parallel_loop3A_282, %parallel_loop3A_283, %parallel_loop3A_284], %parallel_loop3A_287 {strides = array<i32>} : memref<2x128x128xf32, #tpu.memory_space<vmem>>, vector<1x1x16xf32>,
        %parallel_loop3A_288 = arith.constant 1 : i32
        %parallel_loop3A_289 = arith.index_cast %parallel_loop3A_288 : i32 to index
        %parallel_loop3A_290 = arith.index_cast %parallel_loop3A_247 : i32 to index
        %parallel_loop3A_291 = arith.constant 32 : index
        %parallel_loop3A_292 = tpu.vector_load %arg8[%parallel_loop3A_289, %parallel_loop3A_290, %parallel_loop3A_291] {strides = array<i32>} : memref<2x128x128xf32, #tpu.memory_space<vmem>>, vector<1x1x16xf32>,
        %parallel_loop3A_293 = vector.shape_cast %parallel_loop3A_292 : vector<1x1x16xf32> to vector<16xf32>
        %parallel_loop3A_294 = arith.constant 1 : i32
        %parallel_loop3A_295 = arith.index_cast %parallel_loop3A_294 : i32 to index
        %parallel_loop3A_296 = arith.index_cast %parallel_loop3A_247 : i32 to index
        %parallel_loop3A_297 = arith.constant 32 : index
        %parallel_loop3A_298 = tpu.vector_load %arg7[%parallel_loop3A_295, %parallel_loop3A_296, %parallel_loop3A_297] {strides = array<i32>} : memref<2x128x128xf32, #tpu.memory_space<vmem>>, vector<1x1x16xf32>,
        %parallel_loop3A_299 = vector.shape_cast %parallel_loop3A_298 : vector<1x1x16xf32> to vector<16xf32>
        %parallel_loop3A_300 = arith.addf %parallel_loop3A_293, %parallel_loop3A_299 : vector<16xf32>
        %parallel_loop3A_301 = arith.constant 1 : i32
        %parallel_loop3A_302 = arith.index_cast %parallel_loop3A_301 : i32 to index
        %parallel_loop3A_303 = arith.index_cast %parallel_loop3A_247 : i32 to index
        %parallel_loop3A_304 = arith.constant 32 : index
        %parallel_loop3A_305 = tpu.vector_load %arg9[%parallel_loop3A_302, %parallel_loop3A_303, %parallel_loop3A_304] {strides = array<i32>} : memref<2x128x128xf32, #tpu.memory_space<vmem>>, vector<1x1x16xf32>,
        %parallel_loop3A_306 = vector.shape_cast %parallel_loop3A_305 : vector<1x1x16xf32> to vector<16xf32>
        %parallel_loop3A_307 = vector.shape_cast %parallel_loop3A_300 : vector<16xf32> to vector<1x1x16xf32>
        tpu.vector_store %arg9[%parallel_loop3A_302, %parallel_loop3A_303, %parallel_loop3A_304], %parallel_loop3A_307 {strides = array<i32>} : memref<2x128x128xf32, #tpu.memory_space<vmem>>, vector<1x1x16xf32>,
        %parallel_loop3A_308 = arith.constant 1 : i32
        %parallel_loop3A_309 = arith.index_cast %parallel_loop3A_308 : i32 to index
        %parallel_loop3A_310 = arith.index_cast %parallel_loop3A_247 : i32 to index
        %parallel_loop3A_311 = arith.constant 48 : index
        %parallel_loop3A_312 = tpu.vector_load %arg8[%parallel_loop3A_309, %parallel_loop3A_310, %parallel_loop3A_311] {strides = array<i32>} : memref<2x128x128xf32, #tpu.memory_space<vmem>>, vector<1x1x16xf32>,
        %parallel_loop3A_313 = vector.shape_cast %parallel_loop3A_312 : vector<1x1x16xf32> to vector<16xf32>
        %parallel_loop3A_314 = arith.constant 1 : i32
        %parallel_loop3A_315 = arith.index_cast %parallel_loop3A_314 : i32 to index
        %parallel_loop3A_316 = arith.index_cast %parallel_loop3A_247 : i32 to index
        %parallel_loop3A_317 = arith.constant 48 : index
        %parallel_loop3A_318 = tpu.vector_load %arg7[%parallel_loop3A_315, %parallel_loop3A_316, %parallel_loop3A_317] {strides = array<i32>} : memref<2x128x128xf32, #tpu.memory_space<vmem>>, vector<1x1x16xf32>,
        %parallel_loop3A_319 = vector.shape_cast %parallel_loop3A_318 : vector<1x1x16xf32> to vector<16xf32>
        %parallel_loop3A_320 = arith.addf %parallel_loop3A_313, %parallel_loop3A_319 : vector<16xf32>
        %parallel_loop3A_321 = arith.constant 1 : i32
        %parallel_loop3A_322 = arith.index_cast %parallel_loop3A_321 : i32 to index
        %parallel_loop3A_323 = arith.index_cast %parallel_loop3A_247 : i32 to index
        %parallel_loop3A_324 = arith.constant 48 : index
        %parallel_loop3A_325 = tpu.vector_load %arg9[%parallel_loop3A_322, %parallel_loop3A_323, %parallel_loop3A_324] {strides = array<i32>} : memref<2x128x128xf32, #tpu.memory_space<vmem>>, vector<1x1x16xf32>,
        %parallel_loop3A_326 = vector.shape_cast %parallel_loop3A_325 : vector<1x1x16xf32> to vector<16xf32>
        %parallel_loop3A_327 = vector.shape_cast %parallel_loop3A_320 : vector<16xf32> to vector<1x1x16xf32>
        tpu.vector_store %arg9[%parallel_loop3A_322, %parallel_loop3A_323, %parallel_loop3A_324], %parallel_loop3A_327 {strides = array<i32>} : memref<2x128x128xf32, #tpu.memory_space<vmem>>, vector<1x1x16xf32>,
        %parallel_loop3A_328 = arith.constant 1 : i32
        %parallel_loop3A_329 = arith.index_cast %parallel_loop3A_328 : i32 to index
        %parallel_loop3A_330 = arith.index_cast %parallel_loop3A_247 : i32 to index
        %parallel_loop3A_331 = arith.constant 64 : index
        %parallel_loop3A_332 = tpu.vector_load %arg8[%parallel_loop3A_329, %parallel_loop3A_330, %parallel_loop3A_331] {strides = array<i32>} : memref<2x128x128xf32, #tpu.memory_space<vmem>>, vector<1x1x16xf32>,
        %parallel_loop3A_333 = vector.shape_cast %parallel_loop3A_332 : vector<1x1x16xf32> to vector<16xf32>
        %parallel_loop3A_334 = arith.constant 1 : i32
        %parallel_loop3A_335 = arith.index_cast %parallel_loop3A_334 : i32 to index
        %parallel_loop3A_336 = arith.index_cast %parallel_loop3A_247 : i32 to index
        %parallel_loop3A_337 = arith.constant 64 : index
        %parallel_loop3A_338 = tpu.vector_load %arg7[%parallel_loop3A_335, %parallel_loop3A_336, %parallel_loop3A_337] {strides = array<i32>} : memref<2x128x128xf32, #tpu.memory_space<vmem>>, vector<1x1x16xf32>,
        %parallel_loop3A_339 = vector.shape_cast %parallel_loop3A_338 : vector<1x1x16xf32> to vector<16xf32>
        %parallel_loop3A_340 = arith.addf %parallel_loop3A_333, %parallel_loop3A_339 : vector<16xf32>
        %parallel_loop3A_341 = arith.constant 1 : i32
        %parallel_loop3A_342 = arith.index_cast %parallel_loop3A_341 : i32 to index
        %parallel_loop3A_343 = arith.index_cast %parallel_loop3A_247 : i32 to index
        %parallel_loop3A_344 = arith.constant 64 : index
        %parallel_loop3A_345 = tpu.vector_load %arg9[%parallel_loop3A_342, %parallel_loop3A_343, %parallel_loop3A_344] {strides = array<i32>} : memref<2x128x128xf32, #tpu.memory_space<vmem>>, vector<1x1x16xf32>,
        %parallel_loop3A_346 = vector.shape_cast %parallel_loop3A_345 : vector<1x1x16xf32> to vector<16xf32>
        %parallel_loop3A_347 = vector.shape_cast %parallel_loop3A_340 : vector<16xf32> to vector<1x1x16xf32>
        tpu.vector_store %arg9[%parallel_loop3A_342, %parallel_loop3A_343, %parallel_loop3A_344], %parallel_loop3A_347 {strides = array<i32>} : memref<2x128x128xf32, #tpu.memory_space<vmem>>, vector<1x1x16xf32>,
        %parallel_loop3A_348 = arith.constant 1 : i32
        %parallel_loop3A_349 = arith.index_cast %parallel_loop3A_348 : i32 to index
        %parallel_loop3A_350 = arith.index_cast %parallel_loop3A_247 : i32 to index
        %parallel_loop3A_351 = arith.constant 80 : index
        %parallel_loop3A_352 = tpu.vector_load %arg8[%parallel_loop3A_349, %parallel_loop3A_350, %parallel_loop3A_351] {strides = array<i32>} : memref<2x128x128xf32, #tpu.memory_space<vmem>>, vector<1x1x16xf32>,
        %parallel_loop3A_353 = vector.shape_cast %parallel_loop3A_352 : vector<1x1x16xf32> to vector<16xf32>
        %parallel_loop3A_354 = arith.constant 1 : i32
        %parallel_loop3A_355 = arith.index_cast %parallel_loop3A_354 : i32 to index
        %parallel_loop3A_356 = arith.index_cast %parallel_loop3A_247 : i32 to index
        %parallel_loop3A_357 = arith.constant 80 : index
        %parallel_loop3A_358 = tpu.vector_load %arg7[%parallel_loop3A_355, %parallel_loop3A_356, %parallel_loop3A_357] {strides = array<i32>} : memref<2x128x128xf32, #tpu.memory_space<vmem>>, vector<1x1x16xf32>,
        %parallel_loop3A_359 = vector.shape_cast %parallel_loop3A_358 : vector<1x1x16xf32> to vector<16xf32>
        %parallel_loop3A_360 = arith.addf %parallel_loop3A_353, %parallel_loop3A_359 : vector<16xf32>
        %parallel_loop3A_361 = arith.constant 1 : i32
        %parallel_loop3A_362 = arith.index_cast %parallel_loop3A_361 : i32 to index
        %parallel_loop3A_363 = arith.index_cast %parallel_loop3A_247 : i32 to index
        %parallel_loop3A_364 = arith.constant 80 : index
        %parallel_loop3A_365 = tpu.vector_load %arg9[%parallel_loop3A_362, %parallel_loop3A_363, %parallel_loop3A_364] {strides = array<i32>} : memref<2x128x128xf32, #tpu.memory_space<vmem>>, vector<1x1x16xf32>,
        %parallel_loop3A_366 = vector.shape_cast %parallel_loop3A_365 : vector<1x1x16xf32> to vector<16xf32>
        %parallel_loop3A_367 = vector.shape_cast %parallel_loop3A_360 : vector<16xf32> to vector<1x1x16xf32>
        tpu.vector_store %arg9[%parallel_loop3A_362, %parallel_loop3A_363, %parallel_loop3A_364], %parallel_loop3A_367 {strides = array<i32>} : memref<2x128x128xf32, #tpu.memory_space<vmem>>, vector<1x1x16xf32>,
        %parallel_loop3A_368 = arith.constant 1 : i32
        %parallel_loop3A_369 = arith.index_cast %parallel_loop3A_368 : i32 to index
        %parallel_loop3A_370 = arith.index_cast %parallel_loop3A_247 : i32 to index
        %parallel_loop3A_371 = arith.constant 96 : index
        %parallel_loop3A_372 = tpu.vector_load %arg8[%parallel_loop3A_369, %parallel_loop3A_370, %parallel_loop3A_371] {strides = array<i32>} : memref<2x128x128xf32, #tpu.memory_space<vmem>>, vector<1x1x16xf32>,
        %parallel_loop3A_373 = vector.shape_cast %parallel_loop3A_372 : vector<1x1x16xf32> to vector<16xf32>
        %parallel_loop3A_374 = arith.constant 1 : i32
        %parallel_loop3A_375 = arith.index_cast %parallel_loop3A_374 : i32 to index
        %parallel_loop3A_376 = arith.index_cast %parallel_loop3A_247 : i32 to index
        %parallel_loop3A_377 = arith.constant 96 : index
        %parallel_loop3A_378 = tpu.vector_load %arg7[%parallel_loop3A_375, %parallel_loop3A_376, %parallel_loop3A_377] {strides = array<i32>} : memref<2x128x128xf32, #tpu.memory_space<vmem>>, vector<1x1x16xf32>,
        %parallel_loop3A_379 = vector.shape_cast %parallel_loop3A_378 : vector<1x1x16xf32> to vector<16xf32>
        %parallel_loop3A_380 = arith.addf %parallel_loop3A_373, %parallel_loop3A_379 : vector<16xf32>
        %parallel_loop3A_381 = arith.constant 1 : i32
        %parallel_loop3A_382 = arith.index_cast %parallel_loop3A_381 : i32 to index
        %parallel_loop3A_383 = arith.index_cast %parallel_loop3A_247 : i32 to index
        %parallel_loop3A_384 = arith.constant 96 : index
        %parallel_loop3A_385 = tpu.vector_load %arg9[%parallel_loop3A_382, %parallel_loop3A_383, %parallel_loop3A_384] {strides = array<i32>} : memref<2x128x128xf32, #tpu.memory_space<vmem>>, vector<1x1x16xf32>,
        %parallel_loop3A_386 = vector.shape_cast %parallel_loop3A_385 : vector<1x1x16xf32> to vector<16xf32>
        %parallel_loop3A_387 = vector.shape_cast %parallel_loop3A_380 : vector<16xf32> to vector<1x1x16xf32>
        tpu.vector_store %arg9[%parallel_loop3A_382, %parallel_loop3A_383, %parallel_loop3A_384], %parallel_loop3A_387 {strides = array<i32>} : memref<2x128x128xf32, #tpu.memory_space<vmem>>, vector<1x1x16xf32>,
        %parallel_loop3A_388 = arith.constant 1 : i32
        %parallel_loop3A_389 = arith.index_cast %parallel_loop3A_388 : i32 to index
        %parallel_loop3A_390 = arith.index_cast %parallel_loop3A_247 : i32 to index
        %parallel_loop3A_391 = arith.constant 112 : index
        %parallel_loop3A_392 = tpu.vector_load %arg8[%parallel_loop3A_389, %parallel_loop3A_390, %parallel_loop3A_391] {strides = array<i32>} : memref<2x128x128xf32, #tpu.memory_space<vmem>>, vector<1x1x16xf32>,
        %parallel_loop3A_393 = vector.shape_cast %parallel_loop3A_392 : vector<1x1x16xf32> to vector<16xf32>
        %parallel_loop3A_394 = arith.constant 1 : i32
        %parallel_loop3A_395 = arith.index_cast %parallel_loop3A_394 : i32 to index
        %parallel_loop3A_396 = arith.index_cast %parallel_loop3A_247 : i32 to index
        %parallel_loop3A_397 = arith.constant 112 : index
        %parallel_loop3A_398 = tpu.vector_load %arg7[%parallel_loop3A_395, %parallel_loop3A_396, %parallel_loop3A_397] {strides = array<i32>} : memref<2x128x128xf32, #tpu.memory_space<vmem>>, vector<1x1x16xf32>,
        %parallel_loop3A_399 = vector.shape_cast %parallel_loop3A_398 : vector<1x1x16xf32> to vector<16xf32>
        %parallel_loop3A_400 = arith.addf %parallel_loop3A_393, %parallel_loop3A_399 : vector<16xf32>
        %parallel_loop3A_401 = arith.constant 1 : i32
        %parallel_loop3A_402 = arith.index_cast %parallel_loop3A_401 : i32 to index
        %parallel_loop3A_403 = arith.index_cast %parallel_loop3A_247 : i32 to index
        %parallel_loop3A_404 = arith.constant 112 : index
        %parallel_loop3A_405 = tpu.vector_load %arg9[%parallel_loop3A_402, %parallel_loop3A_403, %parallel_loop3A_404] {strides = array<i32>} : memref<2x128x128xf32, #tpu.memory_space<vmem>>, vector<1x1x16xf32>,
        %parallel_loop3A_406 = vector.shape_cast %parallel_loop3A_405 : vector<1x1x16xf32> to vector<16xf32>
        %parallel_loop3A_407 = vector.shape_cast %parallel_loop3A_400 : vector<16xf32> to vector<1x1x16xf32>
        tpu.vector_store %arg9[%parallel_loop3A_402, %parallel_loop3A_403, %parallel_loop3A_404], %parallel_loop3A_407 {strides = array<i32>} : memref<2x128x128xf32, #tpu.memory_space<vmem>>, vector<1x1x16xf32>,
      } {sc.loop_unroll_factor = 8 : i64, sc.parallel_access}
      %mul3A_221 = arith.constant 128 : i32
      %mul3A_222 = arith.muli %add3A_180, %mul3A_221 : i32
      %add3A_223 = arith.addi %mul3A_2, %mul3A_222 : i32
      %dma_start3A_224 = arith.constant 1 : i32
      %dma_start3A_225 = arith.constant 1 : i32
      %dma_start3A_226 = arith.constant 0 : i32
      %dma_start3A_227 = arith.constant 0 : i32
      %dma_start3A_228 = tpu.memref_slice %arg9[%dma_start3A_224, %dma_start3A_226, %dma_start3A_227] : memref<2x128x128xf32, #tpu.memory_space<vmem>> -> memref<1x128x128xf32, #tpu.memory_space<vmem>>
      %dma_start3A_229 = tpu.memref_squeeze %dma_start3A_228 : memref<1x128x128xf32, #tpu.memory_space<vmem>> -> memref<128x128xf32, #tpu.memory_space<vmem>>
      %dma_start3A_230 = arith.constant 0 : i32
      %dma_start3A_231 = tpu.memref_slice %arg5[%add3A_223, %dma_start3A_230] : memref<409600x128xf32, #tpu.memory_space<hbm>> -> memref<128x128xf32, #tpu.memory_space<hbm>>
      %dma_start3A_232 = tpu.memref_slice %arg13[%dma_start3A_225] : memref<2x!tpu.dma_semaphore, #tpu.memory_space<semaphore_mem>> -> memref<1x!tpu.dma_semaphore, #tpu.memory_space<semaphore_mem>>
      %dma_start3A_233 = tpu.memref_squeeze %dma_start3A_232 : memref<1x!tpu.dma_semaphore, #tpu.memory_space<semaphore_mem>> -> memref<!tpu.dma_semaphore, #tpu.memory_space<semaphore_mem>>
      %dma_start3A_234 = arith.constant 0 : i32
      %dma_start3A_235 = tpu.memref_slice %arg5[%add3A_223, %dma_start3A_234] : memref<409600x128xf32, #tpu.memory_space<hbm>> -> memref<128x128xf32, #tpu.memory_space<hbm>>
      %dma_start3A_236 = arith.constant 0 : i32
      %dma_start3A_237 = arith.constant 0 : i32
      %dma_start3A_238 = tpu.memref_slice %arg9[%dma_start3A_224, %dma_start3A_236, %dma_start3A_237] : memref<2x128x128xf32, #tpu.memory_space<vmem>> -> memref<1x128x128xf32, #tpu.memory_space<vmem>>
      %dma_start3A_239 = tpu.memref_squeeze %dma_start3A_238 : memref<1x128x128xf32, #tpu.memory_space<vmem>> -> memref<128x128xf32, #tpu.memory_space<vmem>>
      tpu.enqueue_dma source(%dma_start3A_239 : memref<128x128xf32, #tpu.memory_space<vmem>>) target(%dma_start3A_235 : memref<128x128xf32, #tpu.memory_space<hbm>>) target_semaphore(%dma_start3A_233 : memref<!tpu.dma_semaphore, #tpu.memory_space<semaphore_mem>>)
      %add3A_240 = arith.constant 2 : i32
      %add3A_241 = arith.addi %add3A_180, %add3A_240 : i32
      %lt3A_242 = arith.constant 100 : i32
      %lt3A_243 = arith.cmpi slt, %add3A_241, %lt3A_242 : i32
      %convert_element_type3A_244 = arith.extui %lt3A_243 : i1 to i32
      %cond3A_245 = arith.constant 0 : i32
      %cond3A_246 = arith.cmpi ne, %convert_element_type3A_244, %cond3A_245 : i32
      scf.if %cond3A_246 {
        %add3A_247 = arith.constant 2 : i32
        %add3A_248 = arith.addi %add3A_180, %add3A_247 : i32
        %mul3A_249 = arith.constant 128 : i32
        %mul3A_250 = arith.muli %add3A_248, %mul3A_249 : i32
        %add3A_251 = arith.addi %mul3A_2, %mul3A_250 : i32
        %mul3A_252 = arith.constant 128 : i32
        %mul3A_253 = arith.muli %add3A_248, %mul3A_252 : i32
        %dma_start3A_254 = arith.constant 1 : i32
        %dma_start3A_255 = arith.constant 1 : i32
        %dma_start3A_256 = arith.constant 0 : i32
        %dma_start3A_257 = arith.constant 0 : i32
        %dma_start3A_258 = tpu.memref_slice %arg7[%dma_start3A_254, %dma_start3A_256, %dma_start3A_257] : memref<2x128x128xf32, #tpu.memory_space<vmem>> -> memref<1x128x128xf32, #tpu.memory_space<vmem>>
        %dma_start3A_259 = tpu.memref_squeeze %dma_start3A_258 : memref<1x128x128xf32, #tpu.memory_space<vmem>> -> memref<128x128xf32, #tpu.memory_space<vmem>>
        %dma_start3A_260 = tpu.memref_slice %arg6[%mul3A_253] : memref<12800xi32, #tpu.memory_space<vmem>> -> memref<128xi32, #tpu.memory_space<vmem>>
        %dma_start3A_261 = arith.constant 0 : i32
        %dma_start3A_262 = arith.constant 0 : i32
        %dma_start3A_263 = tpu.memref_slice %arg10[%dma_start3A_261, %dma_start3A_262] : memref<256x128xf32, #tpu.memory_space<vmem_shared>> -> memref<256x128xf32, #tpu.memory_space<vmem_shared>>
        %dma_start3A_264 = tpu.memref_slice %arg11[%dma_start3A_255] : memref<2x!tpu.dma_semaphore, #tpu.memory_space<semaphore_mem>> -> memref<1x!tpu.dma_semaphore, #tpu.memory_space<semaphore_mem>>
        %dma_start3A_265 = tpu.memref_squeeze %dma_start3A_264 : memref<1x!tpu.dma_semaphore, #tpu.memory_space<semaphore_mem>> -> memref<!tpu.dma_semaphore, #tpu.memory_space<semaphore_mem>>
        tpu.enqueue_indirect_dma source(%dma_start3A_263 : memref<256x128xf32, #tpu.memory_space<vmem_shared>>) target(%dma_start3A_259 : memref<128x128xf32, #tpu.memory_space<vmem>>) offsets(%dma_start3A_260 : memref<128xi32, #tpu.memory_space<vmem>>) semaphore(%dma_start3A_265 : memref<!tpu.dma_semaphore, #tpu.memory_space<semaphore_mem>>)
        %dma_start3A_266 = arith.constant 1 : i32
        %dma_start3A_267 = arith.constant 1 : i32
        %dma_start3A_268 = arith.constant 0 : i32
        %dma_start3A_269 = arith.constant 0 : i32
        %dma_start3A_270 = tpu.memref_slice %arg8[%dma_start3A_266, %dma_start3A_268, %dma_start3A_269] : memref<2x128x128xf32, #tpu.memory_space<vmem>> -> memref<1x128x128xf32, #tpu.memory_space<vmem>>
        %dma_start3A_271 = tpu.memref_squeeze %dma_start3A_270 : memref<1x128x128xf32, #tpu.memory_space<vmem>> -> memref<128x128xf32, #tpu.memory_space<vmem>>
        %dma_start3A_272 = arith.constant 0 : i32
        %dma_start3A_273 = tpu.memref_slice %arg2[%add3A_251, %dma_start3A_272] : memref<409600x128xf32, #tpu.memory_space<hbm>> -> memref<128x128xf32, #tpu.memory_space<hbm>>
        %dma_start3A_274 = tpu.memref_slice %arg12[%dma_start3A_267] : memref<2x!tpu.dma_semaphore, #tpu.memory_space<semaphore_mem>> -> memref<1x!tpu.dma_semaphore, #tpu.memory_space<semaphore_mem>>
        %dma_start3A_275 = tpu.memref_squeeze %dma_start3A_274 : memref<1x!tpu.dma_semaphore, #tpu.memory_space<semaphore_mem>> -> memref<!tpu.dma_semaphore, #tpu.memory_space<semaphore_mem>>
        %dma_start3A_276 = arith.constant 0 : i32
        %dma_start3A_277 = arith.constant 0 : i32
        %dma_start3A_278 = tpu.memref_slice %arg8[%dma_start3A_266, %dma_start3A_276, %dma_start3A_277] : memref<2x128x128xf32, #tpu.memory_space<vmem>> -> memref<1x128x128xf32, #tpu.memory_space<vmem>>
        %dma_start3A_279 = tpu.memref_squeeze %dma_start3A_278 : memref<1x128x128xf32, #tpu.memory_space<vmem>> -> memref<128x128xf32, #tpu.memory_space<vmem>>
        %dma_start3A_280 = arith.constant 0 : i32
        %dma_start3A_281 = tpu.memref_slice %arg2[%add3A_251, %dma_start3A_280] : memref<409600x128xf32, #tpu.memory_space<hbm>> -> memref<128x128xf32, #tpu.memory_space<hbm>>
        tpu.enqueue_dma source(%dma_start3A_281 : memref<128x128xf32, #tpu.memory_space<hbm>>) target(%dma_start3A_279 : memref<128x128xf32, #tpu.memory_space<vmem>>) target_semaphore(%dma_start3A_275 : memref<!tpu.dma_semaphore, #tpu.memory_space<semaphore_mem>>)
      } else {
      }
    }
    %scan3A_69 = arith.constant 50 : i32
    %dma_wait3A = arith.constant 0 : i32
    %dma_wait3A_70 = arith.constant 0 : i32
    %dma_wait3A_71 = arith.constant 0 : i32
    %dma_wait3A_72 = arith.constant 0 : i32
    %dma_wait3A_73 = tpu.memref_slice %arg9[%dma_wait3A, %dma_wait3A_71, %dma_wait3A_72] : memref<2x128x128xf32, #tpu.memory_space<vmem>> -> memref<1x128x128xf32, #tpu.memory_space<vmem>>
    %dma_wait3A_74 = tpu.memref_squeeze %dma_wait3A_73 : memref<1x128x128xf32, #tpu.memory_space<vmem>> -> memref<128x128xf32, #tpu.memory_space<vmem>>
    %dma_wait3A_75 = arith.constant 0 : i32
    %dma_wait3A_76 = arith.constant 0 : i32
    %dma_wait3A_77 = tpu.memref_slice %arg5[%dma_wait3A_75, %dma_wait3A_76] : memref<409600x128xf32, #tpu.memory_space<hbm>> -> memref<128x128xf32, #tpu.memory_space<hbm>>
    %dma_wait3A_78 = tpu.memref_slice %arg13[%dma_wait3A_70] : memref<2x!tpu.dma_semaphore, #tpu.memory_space<semaphore_mem>> -> memref<1x!tpu.dma_semaphore, #tpu.memory_space<semaphore_mem>>
    %dma_wait3A_79 = tpu.memref_squeeze %dma_wait3A_78 : memref<1x!tpu.dma_semaphore, #tpu.memory_space<semaphore_mem>> -> memref<!tpu.dma_semaphore, #tpu.memory_space<semaphore_mem>>
    %dma_wait3A_80 = arith.constant 0 : i32
    %dma_wait3A_81 = arith.constant 0 : i32
    %dma_wait3A_82 = tpu.memref_slice %arg5[%dma_wait3A_80, %dma_wait3A_81] : memref<409600x128xf32, #tpu.memory_space<hbm>> -> memref<128x128xf32, #tpu.memory_space<hbm>>
    %dma_wait3A_83 = arith.constant 0 : i32
    %dma_wait3A_84 = arith.constant 0 : i32
    %dma_wait3A_85 = tpu.memref_slice %arg9[%dma_wait3A, %dma_wait3A_83, %dma_wait3A_84] : memref<2x128x128xf32, #tpu.memory_space<vmem>> -> memref<1x128x128xf32, #tpu.memory_space<vmem>>
    %dma_wait3A_86 = tpu.memref_squeeze %dma_wait3A_85 : memref<1x128x128xf32, #tpu.memory_space<vmem>> -> memref<128x128xf32, #tpu.memory_space<vmem>>
    tpu.wait_dma2 semaphore(%dma_wait3A_79 : memref<!tpu.dma_semaphore, #tpu.memory_space<semaphore_mem>>) src(%dma_wait3A_86 : memref<128x128xf32, #tpu.memory_space<vmem>>) dst(%dma_wait3A_82 : memref<128x128xf32, #tpu.memory_space<hbm>>)
    %dma_wait3A_87 = arith.constant 1 : i32
    %dma_wait3A_88 = arith.constant 1 : i32
    %dma_wait3A_89 = arith.constant 0 : i32
    %dma_wait3A_90 = arith.constant 0 : i32
    %dma_wait3A_91 = tpu.memref_slice %arg9[%dma_wait3A_87, %dma_wait3A_89, %dma_wait3A_90] : memref<2x128x128xf32, #tpu.memory_space<vmem>> -> memref<1x128x128xf32, #tpu.memory_space<vmem>>
    %dma_wait3A_92 = tpu.memref_squeeze %dma_wait3A_91 : memref<1x128x128xf32, #tpu.memory_space<vmem>> -> memref<128x128xf32, #tpu.memory_space<vmem>>
    %dma_wait3A_93 = arith.constant 0 : i32
    %dma_wait3A_94 = arith.constant 0 : i32
    %dma_wait3A_95 = tpu.memref_slice %arg5[%dma_wait3A_93, %dma_wait3A_94] : memref<409600x128xf32, #tpu.memory_space<hbm>> -> memref<128x128xf32, #tpu.memory_space<hbm>>
    %dma_wait3A_96 = tpu.memref_slice %arg13[%dma_wait3A_88] : memref<2x!tpu.dma_semaphore, #tpu.memory_space<semaphore_mem>> -> memref<1x!tpu.dma_semaphore, #tpu.memory_space<semaphore_mem>>
    %dma_wait3A_97 = tpu.memref_squeeze %dma_wait3A_96 : memref<1x!tpu.dma_semaphore, #tpu.memory_space<semaphore_mem>> -> memref<!tpu.dma_semaphore, #tpu.memory_space<semaphore_mem>>
    %dma_wait3A_98 = arith.constant 0 : i32
    %dma_wait3A_99 = arith.constant 0 : i32
    %dma_wait3A_100 = tpu.memref_slice %arg5[%dma_wait3A_98, %dma_wait3A_99] : memref<409600x128xf32, #tpu.memory_space<hbm>> -> memref<128x128xf32, #tpu.memory_space<hbm>>
    %dma_wait3A_101 = arith.constant 0 : i32
    %dma_wait3A_102 = arith.constant 0 : i32
    %dma_wait3A_103 = tpu.memref_slice %arg9[%dma_wait3A_87, %dma_wait3A_101, %dma_wait3A_102] : memref<2x128x128xf32, #tpu.memory_space<vmem>> -> memref<1x128x128xf32, #tpu.memory_space<vmem>>
    %dma_wait3A_104 = tpu.memref_squeeze %dma_wait3A_103 : memref<1x128x128xf32, #tpu.memory_space<vmem>> -> memref<128x128xf32, #tpu.memory_space<vmem>>
    tpu.wait_dma2 semaphore(%dma_wait3A_97 : memref<!tpu.dma_semaphore, #tpu.memory_space<semaphore_mem>>) src(%dma_wait3A_104 : memref<128x128xf32, #tpu.memory_space<vmem>>) dst(%dma_wait3A_100 : memref<128x128xf32, #tpu.memory_space<hbm>>)
    return
  }
}

</mosaic_0001>

<sc_bundles>
// kernel: kernel.3.cloned.1.call-start
scs
__scs_entry_jumppad:
0x0: {  	(pc) =	sbr.rel $0x88, $3  }
0x1: {  	(tag) =	ssettag $0x0;
	lr =	simm.s32 $0x1  }
0x2: {  	[smem:$0x3F9E] =	sst lr;
	_ =	strace $0xD0000000  }
0x3: {  	_ = 	snop  }
0x4: {  	_ = 	snop  }
0x5: {  	_ = 	snop  }
0x6: {  	_ = 	snop  }
0x7: {  	_ = 	snop  }
__scs_overlays_trampoline_lowered:
0x8: {  	[smem:$0x3FAD] =	sst s0  }
0x9: {  	[smem:$0x3FAE] =	sst s1  }
0xa: {  	[smem:$0x3FAF] =	sst s2  }
0xb: {  	[smem:$0x3FB0] =	sst s3  }
0xc: {  	[smem:$0x3FB1] =	sst s4  }
0xd: {  	[smem:$0x3FB2] =	sst s5  }
0xe: {  	[smem:$0x3FB3] =	sst s6  }
0xf: {  	[smem:$0x3FB4] =	sst s7  }
0x10: {  	[smem:$0x3FB5] =	sst s8  }
0x11: {  	[smem:$0x3FB6] =	sst s9;
	s0 =	simm.s32 @!p0 $0x0  }
0x12: {  	s1 =	sld [smem:$0x3F9C];
	s0 =	simm.s32 @p0 $0x1  }
0x13: {  	[smem:$0x3FB7] =	sst s0;
	s0 =	simm.s32 @!p1 $0x0  }
0x14: {  	s2 =	sld [smem:$0x3F9B];
	s0 =	simm.s32 @p1 $0x1  }
0x15: {  	[smem:$0x3FB8] =	sst s0;
	s0 =	simm.s32 @!p2 $0x0  }
0x16: {  	s3 =	sld [smem:$0x3FDB];
	s0 =	simm.s32 @p2 $0x1  }
0x17: {  	s4 =	simm.s32 $0x1BF5;
	[smem:$0x3FBA] =	sst s0  }
0x18: {  	s0 =	sld [smem:$0x3F9D];
	_ =	swait.ge [sflag:s4], $0x0  }
0x19: {  	s7 =	sld [smem:$0x3F9E]  }
0x1a: {  	s8 =	sadd.s32 $0xFFFFE003, lr  }
0x1b: {  	s9 =	sadd.s32 $0xFFFFFEF7, lr;
	s5 =	simm.s32 $0xFFFFFFFF;
	p2 =	slt.u32 s8, $0xFFFFF086  }
0x1c: {  	p1 =	slt.u32 s9, $0xF7A;
	s5 =	simm.s32 @!p2 $0x0  }
0x1d: {  	s5 =	simm.s32 @p1 $0x1;
	p0 =	seq.s32 s7, s2  }
0x1e: {  	s7 =	smul.u32 @!p0 $0xF7A, s2;
	p2 =	seq.s32 @!p0 s5, $0x0  }
0x1f: {  	s9 =	smul.u32 $0xF7A, s1;
	s8 =	simm.s32 @!p0 $0x1BF5;
	p2 =	por !p2, p0  }
0x20: {  	[sflag:s8] =	ssyncset.s32 @!p0 $0xFFFFF086;
	s6 =	sadd.s32 @!p0 s3, s7;
	s7 =	simm.s32 @!p0 $0x108  }
0x21: {  	s3 =	sadd.s32 s3, s9;
	s6 =	sadd.s32 @!p0 $0x88, s6;
	s7 =	simm.s32 @p2 $0x1082  }
0x22: {  	[simem:s7], [sflag:s8] =	dma.local @!p0 [hbm:s6], $0xF7A  }
0x23: {  	s9 =	sor.u32 $0xD0000000, s2;
	s6 =	simm.s32 $0x108;
	_ =	swait.ge @!p0 [sflag:s8], $0x0  }
0x24: {  	s3 =	sadd.s32 $0x88, s3;
	s6 =	simm.s32 @!p1 $0x1082;
	[sflag:s4] =	ssyncset.s32 $0xFFFFF086  }
0x25: {  	[simem:s6], [sflag:s4] =	dma.local [hbm:s3], $0xF7A  }
0x26: {  	[smem:$0x3F9E] =	sst s1;
	(tag) =	ssettag s2;
	_ =	strace s9  }
0x27: {  	s1 =	sld [smem:$0x3FAE]  }
0x28: {  	s2 =	sld [smem:$0x3FAF]  }
0x29: {  	s4 =	sld [smem:$0x3FB1]  }
0x2a: {  	p0 =	seq.s32 s5, $0x0;
	s5 =	sld [smem:$0x3FB2]  }
0x2b: {  	s6 =	sld [smem:$0x3FB3]  }
0x2c: {  	s7 =	sld [smem:$0x3FB4]  }
0x2d: {  	s3 =	simm.s32 $0x108;
	s8 =	sld [smem:$0x3FB5]  }
0x2e: {  	s3 =	simm.s32 @!p0 $0x1082;
	s9 =	sld [smem:$0x3FB6]  }
0x2f: {  	lr =	sadd.s32 s0, s3;
	s0 =	sld [smem:$0x3FAD]  }
0x30: {  	s3 =	sld [smem:$0x3FB0]  }
0x31: {  	[smem:$0x3FB9] =	sst s10  }
0x32: {  	s10 =	sld [smem:$0x3FB7];
	_ =	sdelay $0x3  }
0x33: {  	p0 =	seq.s32 s10, $0x1;
	s10 =	sld [smem:$0x3FB9];
	_ =	sdelay $0x3  }
0x34: {  	[smem:$0x3FB9] =	sst s10  }
0x35: {  	s10 =	sld [smem:$0x3FB8];
	_ =	sdelay $0x3  }
0x36: {  	p1 =	seq.s32 s10, $0x1;
	s10 =	sld [smem:$0x3FB9];
	_ =	sdelay $0x3  }
0x37: {  	[smem:$0x3FB9] =	sst s10  }
0x38: {  	s10 =	sld [smem:$0x3FBA]  }
0x39: {  	_ = 	snop;
	(pc) =	sbr.ind lr, $3  }
0x3a: {  	_ = 	snop  }
0x3b: {  	_ = 	snop  }
0x3c: {  	p2 =	seq.s32 s10, $0x1;
	s10 =	sld [smem:$0x3FB9]  }
0x3d: {  	_ =	shalt  }
0x3e: {  	_ =	shalt  }
0x3f: {  	_ =	shalt  }
0x40: {  	_ =	shalt  }
0x41: {  	_ =	shalt  }
0x42: {  	_ =	shalt  }
0x43: {  	_ =	shalt  }
0x44: {  	_ =	shalt  }
0x45: {  	_ =	shalt  }
0x46: {  	_ =	shalt  }
0x47: {  	_ =	shalt  }
0x48: {  	_ =	shalt  }
0x49: {  	_ =	shalt  }
0x4a: {  	_ =	shalt  }
0x4b: {  	_ =	shalt  }
0x4c: {  	_ =	shalt  }
0x4d: {  	_ =	shalt  }
0x4e: {  	_ =	shalt  }
0x4f: {  	_ =	shalt  }
0x50: {  	_ =	shalt  }
0x51: {  	_ =	shalt  }
0x52: {  	_ =	shalt  }
0x53: {  	_ =	shalt  }
0x54: {  	_ =	shalt  }
0x55: {  	_ =	shalt  }
0x56: {  	_ =	shalt  }
0x57: {  	_ =	shalt  }
0x58: {  	_ =	shalt  }
0x59: {  	_ =	shalt  }
0x5a: {  	_ =	shalt  }
0x5b: {  	_ =	shalt  }
0x5c: {  	_ =	shalt  }
0x5d: {  	_ =	shalt  }
0x5e: {  	_ =	shalt  }
0x5f: {  	_ =	shalt  }
0x60: {  	_ =	shalt  }
0x61: {  	_ =	shalt  }
0x62: {  	_ =	shalt  }
0x63: {  	_ =	shalt  }
0x64: {  	_ =	shalt  }
0x65: {  	_ =	shalt  }
0x66: {  	_ =	shalt  }
0x67: {  	_ =	shalt  }
0x68: {  	_ =	shalt  }
0x69: {  	_ =	shalt  }
0x6a: {  	_ =	shalt  }
0x6b: {  	_ =	shalt  }
0x6c: {  	_ =	shalt  }
0x6d: {  	_ =	shalt  }
0x6e: {  	_ =	shalt  }
0x6f: {  	_ =	shalt  }
0x70: {  	_ =	shalt  }
0x71: {  	_ =	shalt  }
0x72: {  	_ =	shalt  }
0x73: {  	_ =	shalt  }
0x74: {  	_ =	shalt  }
0x75: {  	_ =	shalt  }
0x76: {  	_ =	shalt  }
0x77: {  	_ =	shalt  }
0x78: {  	_ =	shalt  }
0x79: {  	_ =	shalt  }
0x7a: {  	_ =	shalt  }
0x7b: {  	_ =	shalt  }
0x7c: {  	_ =	shalt  }
0x7d: {  	_ =	shalt  }
0x7e: {  	_ =	shalt  }
0x7f: {  	_ =	shalt  }
0x80: {  	_ =	shalt  }
0x81: {  	_ =	shalt  }
0x82: {  	_ =	shalt  }
0x83: {  	_ =	shalt  }
0x84: {  	_ =	shalt  }
0x85: {  	_ =	shalt  }
0x86: {  	_ =	shalt  }
0x87: {  	_ =	shalt  }
.Lfunc_end0:
.L_simem_size_0:
called_computation.1_lowered:
.L_overlay_start_0:
0x88: {  	s2 =	sld [smem:$0x3FD9]  }
0x89: {  	s3 =	sld [smem:$0x3FFE];
	_ =	sdelay $0x1  }
0x8a: {  	s1 =	srdreg.scid  }
0x8b: {  	s0 =	sand.u32 $0x1, s1  }
0x8c: {  	s17 =	sshll.u32 s0, $0xA;
	s2 =	sadd.s32 s3, s2  }
0x8d: {  	s2 =	sadd.s32 s2, s17  }
0x8e: {  	[smem:$0x3FC5] =	sst s2  }
0x8f: {  	_ = 	snop  }
0x90: {  	s2 =	sld [smem:$0x3FD0];
	(tm) =	ssettm $0x1  }
0x91: {  	s18 =	sld [smem:$0x3FFB];
	_ =	sdelay $0x3  }
0x92: {  	_ =	strace s18  }
0x93: {  	s3 =	sld [smem:$0x3FFC];
	_ =	sdelay $0x3  }
0x94: {  	_ =	strace s3  }
0x95: {  	s3 =	sld [smem:$0x3FFD];
	_ =	sdelay $0x3  }
0x96: {  	_ =	strace s3  }
0x97: {  	_ =	strace $0x8FFFFFFF  }
0x98: {  	s19 =	sld [smem:$0x3FDB];
	_ =	sdelay $0x1  }
0x99: {  	s4 =	simm.s32 $_scs_section_size  }
0x9a: {  	s5 =	simm.s32 $_size__tile_overlayer_lowered;
	s6 =	simm.s32 $_tile_overlayer_lowered  }
0x9b: {  	s22 =	simm.s32 $0x1BFF;
	s21 =	sshll.u32 s6, $0x1;
	s3 =	sadd.s32 s4, s19  }
0x9c: {  	s7 =	simm.s32 $0x0;
	s20 =	sshll.u32 s5, $0x1;
	s5 =	sadd.s32 s21, s3  }
0x9d: {  	[timem:s7], [sflag:s22] =	dma.local [hbm:s5], s20  }
0x9e: {  	_ =	swait.ge [sflag:s22], s20  }
0x9f: {  	s4 =	ssub.s32 $0x0, s20;
	[sflag:s22] =	ssyncset.done $0x0  }
0xa0: {  	[sflag:s22] =	ssyncadd.s32 s4;
	_ =	sdelay $0x1  }
0xa1: {  	s23 =	simm.s32 $0x1B8B  }
0xa2: {  	_ =	swait.ge [sflag:s23], $0x1  }
0xa3: {  	[sflag:s23] =	ssyncset.done $0x0  }
0xa4: {  	s25 =	simm.s32 $0x1B8E;
	s24 =	sld [smem:$0x3FFE];
	[sflag:s23] =	ssyncadd.s32 $0xFFFFFFFF  }
0xa5: {  	s26 =	simm.s32 $execute0_lowered;
	[smem:$0x3FD2] =	sst s25  }
0xa6: {  	s5 =	sshll.u32 s26, $0x1;
	_ =	strace $0x80000046;
	[dreg:$0x1] =	wrdreg $0xFFFFFFFF  }
0xa7: {  	s28 =	simm.s32 $_size_execute0_lowered;
	s3 =	sadd.s32 s3, s5;
	[dreg:$0x0] =	wrdreg $0x0  }
0xa8: {  	s5 =	sshll.u32 s28, $0x1;
	[dreg:$0x2] =	wrdreg s3  }
0xa9: {  	[dreg:$0x3] =	wrdreg s5  }
0xaa: {  	[dreg:$0x4] =	wrdreg $0xC0  }
0xab: {  	_ =	task [dreg:s7], $0x5FFFF  }
0xac: {  	[dreg:$0x1] =	wrdreg $0xFFFFFFFF  }
0xad: {  	[dreg:$0x0] =	wrdreg $0x60  }
0xae: {  	[dreg:$0x2] =	wrdreg s2  }
0xaf: {  	[dreg:$0x3] =	wrdreg s24  }
0xb0: {  	[dreg:$0x4] =	wrdreg $0x1B2000  }
0xb1: {  	[dreg:$0x5] =	wrdreg $0x9  }
0xb2: {  	_ =	task.clear_ibuf [dreg:s7], $0x6FFFF;
	_ =	strace $0x90000046  }
0xb3: {  	s29 =	simm.s32 $0x9;
	_ =	strace $0x80000048  }
0xb4: {  	_ =	swait.ge [sflag:s29], $0x1  }
0xb5: {  	[sflag:s29] =	ssyncadd.s32 $0xFFFFFFFF  }
0xb6: {  	_ =	strace $0x90000048  }
0xb7: {  	_ =	sfence  }
0xb8: {  	s30 =	sld [smem:$0x0];
	_ =	sdelay $0x2  }
0xb9: {  	s31 =	sshll.u32 s1, $0xD;
	s1 =	sshrl.u32 s1, $0x2  }
0xba: {  	s3 =	sand.u32 $0x4000, s31;
	s1 =	sadd.s32 s1, s30  }
0xbb: {  	s0 =	sor.u32 s3, s0;
	s1 =	sshll.u32 s1, $0x11  }
0xbc: {  	s0 =	sor.u32 s1, s0  }
0xbd: {  	s0 =	sadd.s32 $0x8F2B, s0  }
0xbe: {  	[sflag:s0] =	ssyncadd.remote.s32 $0x1  }
0xbf: {  	_ =	sfence.sel $0xFFFF  }
0xc0: {  	[dreg:$0x0] =	wrdreg $0xFFFFFFFF;
	(pc) =	sbr.abs _section_cstart, $3  }
0xc1: {  	[dreg:$0x1] =	wrdreg $0xFFFFFFFF  }
0xc2: {  	_ =	task.clear_ibuf [dreg:s7], $0x2FFFF;
	_ =	strace $0x9FFFFFFF  }
0xc3: {  	(tm) =	ssettm $0x7FFFFFFF  }
tec
execute0_lowered:
.L_overlay_start_1:
0x0: {  	(tag) =	ssettag $0x1  }
0x1: {  	s0 =	rddreg [dreg:$0x0]  }
0x2: {  	s1 =	rddreg [dreg:$0x1];
	s3 =	srdreg.scid  }
0x3: {  	s10 =	stileid.u32;
	s2 =	rddreg [dreg:$0x2];
	s13 =	simm.s32 $0x7  }
0x4: {  	s14 =	simm.s32 $0x80;
	s17 =	simm.s32 $0x7200;
	s18 =	simm.s32 $0xF200  }
0x5: {  	s19 =	simm.s32 $0x3;
	s20 =	simm.s32 $0x1;
	s21 =	simm.s32 $0x13200  }
0x6: {  	s22 =	simm.s32 $0x4;
	s23 =	simm.s32 $0x2;
	s24 =	simm.s32 $0x17200  }
0x7: {  	s25 =	simm.s32 $0x5;
	s5 =	sand.u32 $0x1, s3;
	s4 =	sshll.u32 s10, $0x1  }
0x8: {  	s26 =	simm.s32 $0x6;
	s28 =	simm.s32 $0x0;
	s9 =	sor.u32 s5, s4  }
0x9: {  	s3 =	simm.s32 $0x0;
	p0 =	sne.s32 s10, $0x0;
	s4 =	smul.u32 $0x640, s9  }
0xa: {  	[smem:$0x7FF] =	sst s3;
	s8 =	ssub.s32 $0x2, s5;
	s11 =	smul.u32 $0x32000, s9  }
.Ltmp0:
0xb: {  	s5 =	sadd.s32 $0xE600, s1;
	s12 =	sshrl.u32 @!p0 s2, $0x3;
	(pc) =	sbr.rel .LBB2_1-.Ltmp0, $4  }
0xc: {  	_ =	strace $0x80000047;
	s31 =	sshrl.u32 s8, $0x1;
	s9 =	smul.u32 $0x190000, s9  }
0xd: {  	s7 =	sadd.s32 s4, s1;
	s4 =	sadd.s32 $0xD600, s1;
	s6 =	sadd.s32 s0, s11  }
0xe: {  	s1 =	ssub.s32 s8, s31;
	s11 =	sadd.s32 s11, s5;
	s7 =	sadd.s32 $0xE00, s7  }
0xf: {  	s8 =	sadd.s32 $0x800, s6;
	s10 =	smax.u32 s1, $0x1;
	s11 =	sadd.s32 $0x800, s11  }
.LBB2_8:
0x10: {  	s28 =	sadd.s32 $0x1, s28  }
0x11: {  	_ =	swait.ge [sflag:s25], $0x4000;
	p1 =	sne.s32 s28, s10  }
.Ltmp1:
0x12: {  	[sflag:s25] =	ssyncset.done $0x0;
	(pc) =	sbr.rel @!p1 .LBB2_9-.Ltmp1, $4  }
0x13: {  	[sflag:s25] =	ssyncadd.s32 $0xFFFFC000  }
0x14: {  	_ =	swait.ge [sflag:s26], $0x4000  }
0x15: {  	[sflag:s26] =	ssyncset.done $0x0  }
0x16: {  	[sflag:s26] =	ssyncadd.s32 $0xFFFFC000  }
.LBB2_1:
0x17: {  	s1 =	simm.s32 @!p0 $0x1C07  }
0x18: {  	[spmem:s12], [sflag:s1] =	dma.local @!p0 [hbm:s4], $0x1000  }
0x19: {  	s1 =	simm.s32 @!p0 $0x7  }
0x1a: {  	_ =	swait.ge @!p0 [sflag:s1], $0x1000  }
0x1b: {  	[sflag:s1] =	ssyncset.done @!p0 $0x0  }
0x1c: {  	[sflag:s1] =	ssyncadd.s32 @!p0 $0xFFFFF000  }
0x1d: {  	[bflag:$0x0] =	sbarrier.arrive $0xFFFF  }
0x1e: {  	[tilespmem:s3], [sflag:$0x7] =	stream.linear.gather [hbm4b:s7+s3], $0x3200, $0x38;
	[tilespmem:$0x1BA00] =	vst v63  }
0x1f: {  	_ =	swait.ge [sflag:s13], $0x3200  }
0x20: {  	[sflag:s13] =	ssyncset.done $0x0  }
0x21: {  	s30 =	simm.s32 $0x3200;
	[sflag:s13] =	ssyncadd.s32 $0xFFFFCE00  }
0x22: {  	[tilespmem:s30], [sflag:$0x1] =	stream.indirect.gather [spmem:s2], $0x80, s3, s14, $0xb8;
	[tilespmem:$0x1BA00] =	vst v63  }
0x23: {  	s31 =	simm.s32 $0xB200  }
0x24: {  	[tilespmem:s31], [sflag:$0x3] =	stream.linear.gather [hbm4b:s6+s3], $0x4000, $0x38;
	[tilespmem:$0x1BA00] =	vst v63  }
0x25: {  	_ = 	snop  }
0x26: {  	[tilespmem:s17], [sflag:$0x2] =	stream.indirect.gather [spmem:s2], $0x80, s14, s14, $0xb8;
	[tilespmem:$0x1BA00] =	vst v63  }
0x27: {  	s29 =	simm.s32 $0x0  }
0x28: {  	[tilespmem:s18], [sflag:$0x4] =	stream.linear.gather [hbm4b:s8+s3], $0x4000, $0x38;
	[tilespmem:$0x1BA00] =	vst v63  }
.LBB2_2:
0x29: {  	_ =	swait.ge [sflag:s19], $0x4000  }
0x2a: {  	[sflag:s19] =	ssyncset.done $0x0  }
0x2b: {  	[sflag:s19] =	ssyncadd.s32 $0xFFFFC000  }
0x2c: {  	_ =	swait.ge [sflag:s20], $0x4000  }
0x2d: {  	p1 =	seq.s32 s29, $0x0;
	[sflag:s20] =	ssyncset.done $0x0  }
0x2e: {  	s1 =	simm.s32 @!p1 $0x5;
	[sflag:s20] =	ssyncadd.s32 $0xFFFFC000  }
0x2f: {  	_ =	swait.ge @!p1 [sflag:s1], $0x4000  }
0x30: {  	[sflag:s1] =	ssyncset.done @!p1 $0x0  }
0x31: {  	s15 =	simm.s32 $0xB400;
	[sflag:s1] =	ssyncadd.s32 @!p1 $0xFFFFC000  }
0x32: {  	s1 =	simm.s32 $0x3400;
	v0 =	vld [tilespmem:s15+$0x180]  }
0x33: {  	v1 =	vld [tilespmem:s1+$0x180]  }
0x34: {  	v2 =	vld [tilespmem:s1+$0xFFFFFE00]  }
0x35: {  	v3 =	vld [tilespmem:s15+$0xFFFFFE80]  }
0x36: {  	v4 =	vld [tilespmem:s1+$0xFFFFFE80]  }
0x37: {  	v5 =	vld [tilespmem:s15+$0xFFFFFF00]  }
0x38: {  	v6 =	vld [tilespmem:s1+$0xFFFFFF00]  }
0x39: {  	v7 =	vld [tilespmem:s1+$0xFFFFFF80]  }
0x3a: {  	v9 =	vld [tilespmem:s15+$0x0]  }
0x3b: {  	v10 =	vld [tilespmem:s1+$0x0]  }
0x3c: {  	v11 =	vld [tilespmem:s15+$0x80]  }
0x3d: {  	v12 =	vld [tilespmem:s1+$0x80];
	v0 =	vadd.f32 v1, v0  }
0x3e: {  	s31 =	simm.s32 $0x13400;
	v1 =	vld [tilespmem:s15+$0xFFFFFF80]  }
0x3f: {  	v3 =	vadd.f32 v4, v3;
	v4 =	vld [tilespmem:s15+$0xFFFFFE00];
	[tilespmem:s31+$0x180] =	vst v0  }
0x40: {  	v0 =	vld [tilespmem:s15+$0x190]  }
0x41: {  	v8 =	vld [tilespmem:s1+$0x190]  }
0x42: {  	v13 =	vld [tilespmem:s15+$0x100];
	[tilespmem:s31+$0xFFFFFE80] =	vst v3;
	v3 =	vadd.f32 v6, v5  }
0x43: {  	v6 =	vld [tilespmem:s15+$0xFFFFFE90]  }
0x44: {  	[tilespmem:s31+$0xFFFFFF00] =	vst v3;
	v3 =	vld [tilespmem:s1+$0xFFFFFE90];
	v1 =	vadd.f32 v7, v1  }
0x45: {  	v2 =	vadd.f32 v2, v4;
	v4 =	vld [tilespmem:s15+$0xFFFFFF10]  }
0x46: {  	[tilespmem:s31+$0xFFFFFF80] =	vst v1;
	v1 =	vld [tilespmem:s1+$0xFFFFFF10];
	v0 =	vadd.f32 v8, v0  }
0x47: {  	[tilespmem:s31+$0xFFFFFE00] =	vst v2;
	v2 =	vld [tilespmem:s15+$0xFFFFFF90]  }
0x48: {  	v32 =	vld [tilespmem:s1+$0xFFFFFF90];
	[tilespmem:s31+$0x190] =	vst v0  }
0x49: {  	v0 =	vld [tilespmem:s15+$0x1A0]  }
0x4a: {  	v3 =	vadd.f32 v3, v6;
	v5 =	vld [tilespmem:s1+$0x1A0]  }
0x4b: {  	v8 =	vld [tilespmem:s1+$0x100]  }
0x4c: {  	v7 =	vld [tilespmem:s1+$0xFFFFFE10];
	[tilespmem:s31+$0xFFFFFE90] =	vst v3;
	v1 =	vadd.f32 v1, v4  }
0x4d: {  	v4 =	vld [tilespmem:s15+$0xFFFFFEA0]  }
0x4e: {  	[tilespmem:s31+$0xFFFFFF10] =	vst v1;
	v1 =	vadd.f32 v32, v2;
	v2 =	vld [tilespmem:s1+$0xFFFFFEA0]  }
0x4f: {  	v0 =	vadd.f32 v5, v0;
	v5 =	vld [tilespmem:s15+$0xFFFFFE10]  }
0x50: {  	v36 =	vld [tilespmem:s15+$0xFFFFFF20];
	[tilespmem:s31+$0xFFFFFF90] =	vst v1  }
0x51: {  	v1 =	vld [tilespmem:s1+$0xFFFFFF20];
	[tilespmem:s31+$0x1A0] =	vst v0;
	v0 =	vadd.f32 v10, v9  }
0x52: {  	v37 =	vld [tilespmem:s15+$0xFFFFFFA0]  }
0x53: {  	v30 =	vld [tilespmem:s15+$0x1B0];
	[tilespmem:s31+$0x0] =	vst v0;
	v0 =	vadd.f32 v12, v11  }
0x54: {  	v31 =	vld [tilespmem:s1+$0x1B0];
	v5 =	vadd.f32 v7, v5  }
0x55: {  	v33 =	vld [tilespmem:s15+$0x10];
	[tilespmem:s31+$0x80] =	vst v0;
	v0 =	vadd.f32 v8, v13  }
0x56: {  	v34 =	vld [tilespmem:s15+$0x90];
	[tilespmem:s31+$0xFFFFFE10] =	vst v5  }
0x57: {  	[tilespmem:s31+$0x100] =	vst v0;
	v0 =	vld [tilespmem:s1+$0x90]  }
0x58: {  	v6 =	vld [tilespmem:s15+$0xFFFFFE20]  }
0x59: {  	v9 =	vadd.f32 v31, v30;
	v3 =	vld [tilespmem:s1+$0xFFFFFE20]  }
0x5a: {  	v35 =	vld [tilespmem:s15+$0x110]  }
0x5b: {  	v7 =	vld [tilespmem:s1+$0x110];
	[tilespmem:s31+$0x1B0] =	vst v9  }
0x5c: {  	v2 =	vadd.f32 v2, v4;
	v9 =	vld [tilespmem:s15+$0x1C0]  }
0x5d: {  	v1 =	vadd.f32 v1, v36;
	v5 =	vld [tilespmem:s1+$0x1C0]  }
0x5e: {  	[tilespmem:s31+$0xFFFFFEA0] =	vst v2;
	v8 =	vld [tilespmem:s1+$0x10];
	v0 =	vadd.f32 v0, v34  }
0x5f: {  	v42 =	vld [tilespmem:s15+$0xFFFFFEB0];
	[tilespmem:s31+$0xFFFFFF20] =	vst v1;
	v3 =	vadd.f32 v3, v6  }
0x60: {  	v43 =	vld [tilespmem:s15+$0xFFFFFF30];
	[tilespmem:s31+$0x90] =	vst v0  }
0x61: {  	v0 =	vadd.f32 v7, v35;
	[tilespmem:s31+$0xFFFFFE20] =	vst v3;
	v40 =	vld [tilespmem:s15+$0xA0]  }
0x62: {  	v5 =	vadd.f32 v5, v9;
	v4 =	vld [tilespmem:s15+$0xFFFFFE30]  }
0x63: {  	[tilespmem:s31+$0x110] =	vst v0;
	v0 =	vld [tilespmem:s1+$0xA0]  }
0x64: {  	[tilespmem:s31+$0x1C0] =	vst v5;
	v41 =	vld [tilespmem:s15+$0x120]  }
0x65: {  	v5 =	vadd.f32 v8, v33;
	v8 =	vld [tilespmem:s15+$0x1D0]  }
0x66: {  	v38 =	vld [tilespmem:s1+$0x1D0]  }
0x67: {  	[tilespmem:s31+$0x10] =	vst v5;
	v5 =	vld [tilespmem:s1+$0xFFFFFFA0]  }
0x68: {  	v6 =	vld [tilespmem:s1+$0x120]  }
0x69: {  	v2 =	vld [tilespmem:s1+$0xFFFFFE30]  }
0x6a: {  	v39 =	vld [tilespmem:s15+$0x20];
	v0 =	vadd.f32 v0, v40  }
0x6b: {  	v7 =	vld [tilespmem:s1+$0x20];
	v8 =	vadd.f32 v38, v8  }
0x6c: {  	[tilespmem:s31+$0xA0] =	vst v0;
	v1 =	vadd.f32 v5, v37;
	v5 =	vld [tilespmem:s1+$0xFFFFFEB0]  }
0x6d: {  	v0 =	vadd.f32 v6, v41;
	v46 =	vld [tilespmem:s15+$0xB0];
	[tilespmem:s31+$0x1D0] =	vst v8  }
0x6e: {  	v8 =	vld [tilespmem:s15+$0x1E0]  }
0x6f: {  	[tilespmem:s31+$0x120] =	vst v0;
	v3 =	vld [tilespmem:s1+$0x1E0]  }
0x70: {  	v0 =	vadd.f32 v2, v4;
	[tilespmem:s31+$0xFFFFFFA0] =	vst v1;
	v1 =	vld [tilespmem:s1+$0xFFFFFF30]  }
0x71: {  	v2 =	vld [tilespmem:s1+$0xB0]  }
0x72: {  	v4 =	vld [tilespmem:s15+$0x130];
	[tilespmem:s31+$0xFFFFFE30] =	vst v0  }
0x73: {  	v47 =	vld [tilespmem:s15+$0xFFFFFE40];
	v0 =	vadd.f32 v5, v42  }
0x74: {  	v5 =	vld [tilespmem:s1+$0x130]  }
0x75: {  	v3 =	vadd.f32 v3, v8;
	[tilespmem:s31+$0xFFFFFEB0] =	vst v0;
	v0 =	vadd.f32 v1, v43;
	v1 =	vld [tilespmem:s1+$0xFFFFFE40]  }
0x76: {  	v8 =	vld [tilespmem:s15+$0xFFFFFFB0]  }
0x77: {  	v48 =	vld [tilespmem:s15+$0xFFFFFEC0];
	[tilespmem:s31+$0x1E0] =	vst v3;
	v3 =	vadd.f32 v7, v39  }
0x78: {  	v7 =	vld [tilespmem:s15+$0x1F0]  }
0x79: {  	[tilespmem:s31+$0x20] =	vst v3;
	v3 =	vld [tilespmem:s1+$0xFFFFFFB0]  }
0x7a: {  	v45 =	vld [tilespmem:s15+$0x30];
	v1 =	vadd.f32 v1, v47  }
0x7b: {  	v6 =	vld [tilespmem:s1+$0x30]  }
0x7c: {  	v44 =	vld [tilespmem:s1+$0x1F0];
	[tilespmem:s31+$0xFFFFFE40] =	vst v1  }
0x7d: {  	v52 =	vld [tilespmem:s15+$0xFFFFFE50]  }
0x7e: {  	[tilespmem:s31+$0xFFFFFF30] =	vst v0;
	v0 =	vadd.f32 v3, v8;
	v3 =	vld [tilespmem:s1+$0xFFFFFEC0]  }
0x7f: {  	v8 =	vld [tilespmem:s15+$0xFFFFFF40]  }
0x80: {  	[tilespmem:s31+$0xFFFFFFB0] =	vst v0;
	v0 =	vadd.f32 v6, v45;
	v6 =	vld [tilespmem:s1+$0xFFFFFF40]  }
0x81: {  	v49 =	vld [tilespmem:s15+$0xFFFFFFC0]  }
0x82: {  	[tilespmem:s31+$0x30] =	vst v0;
	v0 =	vadd.f32 v2, v46;
	v2 =	vld [tilespmem:s1+$0xFFFFFFC0]  }
0x83: {  	v50 =	vld [tilespmem:s15+$0x40]  }
0x84: {  	v1 =	vadd.f32 v3, v48;
	[tilespmem:s31+$0xB0] =	vst v0;
	v0 =	vadd.f32 v5, v4;
	v4 =	vld [tilespmem:s1+$0x40]  }
0x85: {  	v5 =	vld [tilespmem:s15+$0xC0]  }
0x86: {  	[tilespmem:s31+$0xFFFFFEC0] =	vst v1;
	v1 =	vadd.f32 v6, v8;
	v6 =	vld [tilespmem:s1+$0xFFFFFE50]  }
0x87: {  	[tilespmem:s31+$0x130] =	vst v0;
	v0 =	vld [tilespmem:s1+$0xC0]  }
0x88: {  	v8 =	vld [tilespmem:s15+$0xFFFFFED0]  }
0x89: {  	v51 =	vld [tilespmem:s15+$0x140]  }
0x8a: {  	v3 =	vld [tilespmem:s1+$0x140]  }
0x8b: {  	[tilespmem:s31+$0xFFFFFF40] =	vst v1;
	v1 =	vadd.f32 v2, v49;
	v2 =	vld [tilespmem:s1+$0xFFFFFED0]  }
0x8c: {  	v53 =	vld [tilespmem:s15+$0xFFFFFF50]  }
0x8d: {  	[tilespmem:s31+$0xFFFFFFC0] =	vst v1;
	v1 =	vadd.f32 v4, v50;
	v4 =	vld [tilespmem:s1+$0xFFFFFF50]  }
0x8e: {  	v54 =	vld [tilespmem:s15+$0xFFFFFFD0];
	v6 =	vadd.f32 v6, v52  }
0x8f: {  	[tilespmem:s31+$0x40] =	vst v1;
	v0 =	vadd.f32 v0, v5;
	v1 =	vld [tilespmem:s1+$0xFFFFFFD0]  }
0x90: {  	v5 =	vld [tilespmem:s15+$0x50];
	[tilespmem:s31+$0xFFFFFE50] =	vst v6  }
0x91: {  	[tilespmem:s31+$0xC0] =	vst v0;
	v0 =	vadd.f32 v3, v51;
	v3 =	vld [tilespmem:s1+$0x50]  }
0x92: {  	v2 =	vadd.f32 v2, v8;
	v8 =	vld [tilespmem:s15+$0xFFFFFE60]  }
0x93: {  	v55 =	vld [tilespmem:s15+$0xD0]  }
0x94: {  	[tilespmem:s31+$0xFFFFFED0] =	vst v2;
	v2 =	vadd.f32 v4, v53;
	v4 =	vld [tilespmem:s1+$0xFFFFFE60]  }
0x95: {  	[tilespmem:s31+$0x140] =	vst v0;
	v0 =	vld [tilespmem:s1+$0xD0]  }
0x96: {  	v57 =	vld [tilespmem:s15+$0xFFFFFEE0]  }
0x97: {  	v56 =	vld [tilespmem:s15+$0x150]  }
0x98: {  	v6 =	vld [tilespmem:s1+$0x150]  }
0x99: {  	[tilespmem:s31+$0xFFFFFF50] =	vst v2;
	v1 =	vadd.f32 v1, v54;
	v2 =	vld [tilespmem:s1+$0xFFFFFEE0]  }
0x9a: {  	v58 =	vld [tilespmem:s15+$0xFFFFFF60]  }
0x9b: {  	[tilespmem:s31+$0xFFFFFFD0] =	vst v1;
	v1 =	vadd.f32 v3, v5;
	v3 =	vld [tilespmem:s1+$0xFFFFFF60]  }
0x9c: {  	v5 =	vld [tilespmem:s15+$0xFFFFFFE0];
	v4 =	vadd.f32 v4, v8  }
0x9d: {  	[tilespmem:s31+$0x50] =	vst v1;
	v0 =	vadd.f32 v0, v55;
	v1 =	vld [tilespmem:s1+$0xFFFFFFE0]  }
0x9e: {  	v59 =	vld [tilespmem:s15+$0x60];
	[tilespmem:s31+$0xFFFFFE60] =	vst v4  }
0x9f: {  	[tilespmem:s31+$0xD0] =	vst v0;
	v0 =	vadd.f32 v6, v56;
	v6 =	vld [tilespmem:s1+$0x60]  }
0xa0: {  	v2 =	vadd.f32 v2, v57;
	v61 =	vld [tilespmem:s15+$0xFFFFFE70]  }
0xa1: {  	v60 =	vld [tilespmem:s15+$0xE0]  }
0xa2: {  	[tilespmem:s31+$0xFFFFFEE0] =	vst v2;
	v2 =	vadd.f32 v3, v58;
	v3 =	vld [tilespmem:s1+$0xFFFFFE70]  }
0xa3: {  	[tilespmem:s31+$0x150] =	vst v0;
	v0 =	vld [tilespmem:s1+$0xE0]  }
0xa4: {  	v62 =	vld [tilespmem:s15+$0xFFFFFEF0]  }
0xa5: {  	v8 =	vld [tilespmem:s15+$0x160]  }
0xa6: {  	v4 =	vld [tilespmem:s1+$0x160]  }
0xa7: {  	[tilespmem:s31+$0xFFFFFF60] =	vst v2;
	v1 =	vadd.f32 v1, v5;
	v5 =	vld [tilespmem:s1+$0xFFFFFEF0]  }
0xa8: {  	v14 =	vld [tilespmem:s15+$0xFFFFFF70]  }
0xa9: {  	[tilespmem:s31+$0xFFFFFFE0] =	vst v1;
	v1 =	vadd.f32 v6, v59;
	v6 =	vld [tilespmem:s1+$0xFFFFFF70]  }
0xaa: {  	v2 =	vadd.f32 v44, v7;
	v7 =	vld [tilespmem:s15+$0xFFFFFFF0]  }
0xab: {  	v63 =	vld [tilespmem:s1+$0xFFFFFFF0];
	[tilespmem:s31+$0x60] =	vst v1;
	v1 =	vadd.f32 v0, v60  }
0xac: {  	[tilespmem:s31+$0x1F0] =	vst v2;
	v3 =	vadd.f32 v3, v61;
	v0 =	vld [tilespmem:s15+$0x70]  }
0xad: {  	v4 =	vadd.f32 v4, v8;
	v2 =	vld [tilespmem:s1+$0x70];
	[tilespmem:s31+$0xE0] =	vst v1  }
0xae: {  	[tilespmem:s31+$0xFFFFFE70] =	vst v3;
	v1 =	vld [tilespmem:s15+$0xF0];
	v6 =	vadd.f32 v6, v14  }
0xaf: {  	v5 =	vadd.f32 v5, v62;
	[tilespmem:s31+$0x160] =	vst v4;
	v4 =	vld [tilespmem:s1+$0xF0]  }
0xb0: {  	v3 =	vld [tilespmem:s15+$0x170];
	[tilespmem:s31+$0xFFFFFF70] =	vst v6;
	v6 =	vadd.f32 v63, v7  }
0xb1: {  	s30 =	sshll.u32 s29, $0x1;
	s16 =	simm.s32 $0xB800;
	[tilespmem:s31+$0xFFFFFEF0] =	vst v5;
	s15 =	simm.s32 $0x0;
	v5 =	vld [tilespmem:s1+$0x170]  }
.LBB2_3:
0xb2: {  	v7 =	vld [tilespmem:s16+$0x180];
	[tilespmem:s31+$0xFFFFFFF0] =	vst v6;
	v0 =	vadd.f32 v2, v0;
	s1 =	sadd.s32 $0x400, s1  }
0xb3: {  	v2 =	vld [tilespmem:s1+$0x180]  }
0xb4: {  	v6 =	vld [tilespmem:s1+$0xFFFFFE00];
	[tilespmem:s31+$0x70] =	vst v0;
	v0 =	vadd.f32 v4, v1  }
0xb5: {  	v1 =	vld [tilespmem:s16+$0xFFFFFE80]  }
0xb6: {  	v4 =	vld [tilespmem:s1+$0xFFFFFE80];
	[tilespmem:s31+$0xF0] =	vst v0;
	v0 =	vadd.f32 v5, v3  }
0xb7: {  	v3 =	vld [tilespmem:s16+$0xFFFFFF00]  }
0xb8: {  	v5 =	vld [tilespmem:s1+$0xFFFFFF00];
	v2 =	vadd.f32 v2, v7;
	[tilespmem:s31+$0x170] =	vst v0  }
0xb9: {  	s31 =	sadd.s32 $0x400, s31;
	v0 =	vld [tilespmem:s16+$0xFFFFFF80]  }
0xba: {  	s15 =	sadd.s32 $0x8, s15;
	v7 =	vld [tilespmem:s1+$0xFFFFFF80];
	[tilespmem:s31+$0x180] =	vst v2  }
0xbb: {  	p2 =	slt.u32 s15, $0x78;
	v1 =	vadd.f32 v4, v1;
	v2 =	vld [tilespmem:s16+$0x190]  }
0xbc: {  	v4 =	vld [tilespmem:s1+$0x190]  }
0xbd: {  	[tilespmem:s31+$0xFFFFFE80] =	vst v1;
	v1 =	vadd.f32 v5, v3;
	v3 =	vld [tilespmem:s16+$0x0]  }
0xbe: {  	v5 =	vld [tilespmem:s1+$0x0]  }
0xbf: {  	[tilespmem:s31+$0xFFFFFF00] =	vst v1;
	v0 =	vadd.f32 v7, v0;
	v1 =	vld [tilespmem:s16+$0x80]  }
0xc0: {  	v7 =	vld [tilespmem:s1+$0x80]  }
0xc1: {  	[tilespmem:s31+$0xFFFFFF80] =	vst v0;
	v0 =	vld [tilespmem:s16+$0x100];
	v2 =	vadd.f32 v4, v2  }
0xc2: {  	v4 =	vld [tilespmem:s1+$0x100]  }
0xc3: {  	v8 =	vld [tilespmem:s16+$0xFFFFFE00];
	v3 =	vadd.f32 v5, v3;
	[tilespmem:s31+$0x190] =	vst v2  }
0xc4: {  	v2 =	vld [tilespmem:s16+$0x1A0]  }
0xc5: {  	[tilespmem:s31+$0x0] =	vst v3;
	v1 =	vadd.f32 v7, v1;
	v3 =	vld [tilespmem:s1+$0x1A0]  }
0xc6: {  	v5 =	vld [tilespmem:s16+$0xFFFFFE90]  }
0xc7: {  	v7 =	vld [tilespmem:s1+$0xFFFFFE90];
	[tilespmem:s31+$0x80] =	vst v1;
	v0 =	vadd.f32 v4, v0  }
0xc8: {  	v1 =	vadd.f32 v6, v8;
	v4 =	vld [tilespmem:s16+$0xFFFFFF10]  }
0xc9: {  	v6 =	vld [tilespmem:s1+$0xFFFFFF10];
	[tilespmem:s31+$0x100] =	vst v0  }
0xca: {  	[tilespmem:s31+$0xFFFFFE00] =	vst v1;
	v0 =	vld [tilespmem:s16+$0xFFFFFF90];
	v1 =	vadd.f32 v3, v2  }
0xcb: {  	v2 =	vld [tilespmem:s16+$0xFFFFFE10]  }
0xcc: {  	v3 =	vld [tilespmem:s1+$0xFFFFFE10];
	v5 =	vadd.f32 v7, v5;
	[tilespmem:s31+$0x1A0] =	vst v1  }
0xcd: {  	v1 =	vld [tilespmem:s16+$0x1B0]  }
0xce: {  	[tilespmem:s31+$0xFFFFFE90] =	vst v5;
	v4 =	vadd.f32 v6, v4;
	v5 =	vld [tilespmem:s1+$0x1B0]  }
0xcf: {  	v6 =	vld [tilespmem:s1+$0xFFFFFF90]  }
0xd0: {  	[tilespmem:s31+$0xFFFFFF10] =	vst v4;
	v4 =	vld [tilespmem:s16+$0x10]  }
0xd1: {  	v2 =	vadd.f32 v3, v2;
	v3 =	vld [tilespmem:s1+$0x10]  }
0xd2: {  	v7 =	vld [tilespmem:s16+$0x90]  }
0xd3: {  	[tilespmem:s31+$0xFFFFFE10] =	vst v2;
	v2 =	vld [tilespmem:s1+$0x90];
	v1 =	vadd.f32 v5, v1  }
0xd4: {  	v0 =	vadd.f32 v6, v0;
	v5 =	vld [tilespmem:s16+$0x110]  }
0xd5: {  	v6 =	vld [tilespmem:s1+$0x110];
	[tilespmem:s31+$0x1B0] =	vst v1  }
0xd6: {  	[tilespmem:s31+$0xFFFFFF90] =	vst v0;
	v0 =	vadd.f32 v3, v4;
	v1 =	vld [tilespmem:s16+$0x1C0]  }
0xd7: {  	v3 =	vld [tilespmem:s1+$0x1C0]  }
0xd8: {  	v4 =	vld [tilespmem:s16+$0xFFFFFE20];
	[tilespmem:s31+$0x10] =	vst v0;
	v0 =	vadd.f32 v2, v7  }
0xd9: {  	v2 =	vld [tilespmem:s1+$0xFFFFFE20]  }
0xda: {  	v7 =	vld [tilespmem:s16+$0xFFFFFEA0];
	[tilespmem:s31+$0x90] =	vst v0;
	v0 =	vadd.f32 v6, v5  }
0xdb: {  	v5 =	vld [tilespmem:s1+$0xFFFFFEA0]  }
0xdc: {  	v6 =	vld [tilespmem:s16+$0xFFFFFF20];
	[tilespmem:s31+$0x110] =	vst v0;
	v0 =	vadd.f32 v3, v1  }
0xdd: {  	v1 =	vld [tilespmem:s1+$0xFFFFFF20]  }
0xde: {  	v2 =	vadd.f32 v2, v4;
	v3 =	vld [tilespmem:s16+$0xFFFFFFA0];
	[tilespmem:s31+$0x1C0] =	vst v0  }
0xdf: {  	v0 =	vld [tilespmem:s16+$0x1D0]  }
0xe0: {  	[tilespmem:s31+$0xFFFFFE20] =	vst v2;
	v2 =	vadd.f32 v5, v7;
	v4 =	vld [tilespmem:s1+$0x1D0]  }
0xe1: {  	v5 =	vld [tilespmem:s1+$0xFFFFFFA0]  }
0xe2: {  	[tilespmem:s31+$0xFFFFFEA0] =	vst v2;
	v1 =	vadd.f32 v1, v6;
	v2 =	vld [tilespmem:s16+$0x20]  }
0xe3: {  	v6 =	vld [tilespmem:s1+$0x20]  }
0xe4: {  	[tilespmem:s31+$0xFFFFFF20] =	vst v1;
	v1 =	vld [tilespmem:s16+$0xA0]  }
0xe5: {  	v7 =	vld [tilespmem:s1+$0xA0];
	v0 =	vadd.f32 v4, v0  }
0xe6: {  	v3 =	vadd.f32 v5, v3;
	v4 =	vld [tilespmem:s16+$0x120]  }
0xe7: {  	v5 =	vld [tilespmem:s1+$0x120];
	[tilespmem:s31+$0x1D0] =	vst v0  }
0xe8: {  	[tilespmem:s31+$0xFFFFFFA0] =	vst v3;
	v0 =	vadd.f32 v6, v2;
	v2 =	vld [tilespmem:s16+$0x1E0]  }
0xe9: {  	v3 =	vld [tilespmem:s1+$0x1E0]  }
0xea: {  	v6 =	vld [tilespmem:s16+$0xFFFFFE30];
	[tilespmem:s31+$0x20] =	vst v0;
	v0 =	vadd.f32 v7, v1  }
0xeb: {  	v1 =	vld [tilespmem:s1+$0xFFFFFE30]  }
0xec: {  	v7 =	vld [tilespmem:s16+$0xFFFFFEB0];
	[tilespmem:s31+$0xA0] =	vst v0;
	v0 =	vadd.f32 v5, v4  }
0xed: {  	v4 =	vld [tilespmem:s1+$0xFFFFFEB0]  }
0xee: {  	v5 =	vld [tilespmem:s16+$0xFFFFFF30];
	[tilespmem:s31+$0x120] =	vst v0;
	v0 =	vadd.f32 v3, v2  }
0xef: {  	v2 =	vld [tilespmem:s1+$0xFFFFFF30]  }
0xf0: {  	v1 =	vadd.f32 v1, v6;
	v3 =	vld [tilespmem:s16+$0xFFFFFFB0];
	[tilespmem:s31+$0x1E0] =	vst v0  }
0xf1: {  	v0 =	vld [tilespmem:s16+$0x1F0]  }
0xf2: {  	[tilespmem:s31+$0xFFFFFE30] =	vst v1;
	v1 =	vadd.f32 v4, v7;
	v4 =	vld [tilespmem:s1+$0x1F0]  }
0xf3: {  	v6 =	vld [tilespmem:s1+$0xFFFFFFB0]  }
0xf4: {  	[tilespmem:s31+$0xFFFFFEB0] =	vst v1;
	v1 =	vadd.f32 v2, v5;
	v2 =	vld [tilespmem:s16+$0x30]  }
0xf5: {  	v5 =	vld [tilespmem:s1+$0x30]  }
0xf6: {  	[tilespmem:s31+$0xFFFFFF30] =	vst v1;
	v1 =	vld [tilespmem:s16+$0xB0]  }
0xf7: {  	v7 =	vld [tilespmem:s1+$0xB0];
	v0 =	vadd.f32 v4, v0  }
0xf8: {  	v3 =	vadd.f32 v6, v3;
	v4 =	vld [tilespmem:s16+$0x130]  }
0xf9: {  	v6 =	vld [tilespmem:s1+$0x130];
	[tilespmem:s31+$0x1F0] =	vst v0  }
0xfa: {  	v0 =	vld [tilespmem:s16+$0xFFFFFE40];
	[tilespmem:s31+$0xFFFFFFB0] =	vst v3;
	v2 =	vadd.f32 v5, v2  }
0xfb: {  	v3 =	vld [tilespmem:s1+$0xFFFFFE40]  }
0xfc: {  	v5 =	vld [tilespmem:s16+$0xFFFFFEC0];
	[tilespmem:s31+$0x30] =	vst v2;
	v1 =	vadd.f32 v7, v1  }
0xfd: {  	v2 =	vld [tilespmem:s1+$0xFFFFFEC0]  }
0xfe: {  	v7 =	vld [tilespmem:s16+$0xFFFFFF40];
	[tilespmem:s31+$0xB0] =	vst v1;
	v1 =	vadd.f32 v6, v4  }
0xff: {  	v4 =	vld [tilespmem:s1+$0xFFFFFF40]  }
0x100: {  	v0 =	vadd.f32 v3, v0;
	v3 =	vld [tilespmem:s16+$0xFFFFFFC0];
	[tilespmem:s31+$0x130] =	vst v1  }
0x101: {  	v1 =	vld [tilespmem:s1+$0xFFFFFFC0]  }
0x102: {  	[tilespmem:s31+$0xFFFFFE40] =	vst v0;
	v0 =	vadd.f32 v2, v5;
	v2 =	vld [tilespmem:s16+$0x40]  }
0x103: {  	v5 =	vld [tilespmem:s1+$0x40]  }
0x104: {  	[tilespmem:s31+$0xFFFFFEC0] =	vst v0;
	v0 =	vadd.f32 v4, v7;
	v4 =	vld [tilespmem:s16+$0xC0]  }
0x105: {  	v6 =	vld [tilespmem:s1+$0xC0]  }
0x106: {  	[tilespmem:s31+$0xFFFFFF40] =	vst v0;
	v0 =	vadd.f32 v1, v3;
	v1 =	vld [tilespmem:s16+$0x140]  }
0x107: {  	v3 =	vld [tilespmem:s1+$0x140]  }
0x108: {  	v7 =	vld [tilespmem:s16+$0xFFFFFE50];
	[tilespmem:s31+$0xFFFFFFC0] =	vst v0;
	v0 =	vadd.f32 v5, v2  }
0x109: {  	v2 =	vld [tilespmem:s1+$0xFFFFFE50]  }
0x10a: {  	v5 =	vld [tilespmem:s16+$0xFFFFFED0];
	[tilespmem:s31+$0x40] =	vst v0;
	v0 =	vadd.f32 v6, v4  }
0x10b: {  	v4 =	vld [tilespmem:s1+$0xFFFFFED0]  }
0x10c: {  	v6 =	vld [tilespmem:s16+$0xFFFFFF50];
	[tilespmem:s31+$0xC0] =	vst v0;
	v0 =	vadd.f32 v3, v1  }
0x10d: {  	v1 =	vld [tilespmem:s1+$0xFFFFFF50]  }
0x10e: {  	v2 =	vadd.f32 v2, v7;
	v3 =	vld [tilespmem:s16+$0xFFFFFFD0];
	[tilespmem:s31+$0x140] =	vst v0  }
0x10f: {  	v0 =	vld [tilespmem:s1+$0xFFFFFFD0]  }
0x110: {  	[tilespmem:s31+$0xFFFFFE50] =	vst v2;
	v2 =	vadd.f32 v4, v5;
	v4 =	vld [tilespmem:s16+$0x50]  }
0x111: {  	v5 =	vld [tilespmem:s1+$0x50]  }
0x112: {  	[tilespmem:s31+$0xFFFFFED0] =	vst v2;
	v1 =	vadd.f32 v1, v6;
	v2 =	vld [tilespmem:s16+$0xD0]  }
0x113: {  	v6 =	vld [tilespmem:s1+$0xD0]  }
0x114: {  	[tilespmem:s31+$0xFFFFFF50] =	vst v1;
	v0 =	vadd.f32 v0, v3;
	v1 =	vld [tilespmem:s16+$0x150]  }
0x115: {  	v3 =	vld [tilespmem:s1+$0x150]  }
0x116: {  	v7 =	vld [tilespmem:s16+$0xFFFFFE60];
	[tilespmem:s31+$0xFFFFFFD0] =	vst v0;
	v0 =	vadd.f32 v5, v4  }
0x117: {  	v4 =	vld [tilespmem:s1+$0xFFFFFE60]  }
0x118: {  	v5 =	vld [tilespmem:s16+$0xFFFFFEE0];
	[tilespmem:s31+$0x50] =	vst v0;
	v0 =	vadd.f32 v6, v2  }
0x119: {  	v2 =	vld [tilespmem:s1+$0xFFFFFEE0]  }
0x11a: {  	v6 =	vld [tilespmem:s16+$0xFFFFFF60];
	[tilespmem:s31+$0xD0] =	vst v0;
	v0 =	vadd.f32 v3, v1  }
0x11b: {  	v1 =	vld [tilespmem:s1+$0xFFFFFF60]  }
0x11c: {  	v3 =	vadd.f32 v4, v7;
	v4 =	vld [tilespmem:s16+$0xFFFFFFE0];
	[tilespmem:s31+$0x150] =	vst v0  }
0x11d: {  	v0 =	vld [tilespmem:s1+$0xFFFFFFE0]  }
0x11e: {  	[tilespmem:s31+$0xFFFFFE60] =	vst v3;
	v2 =	vadd.f32 v2, v5;
	v3 =	vld [tilespmem:s16+$0x60]  }
0x11f: {  	v5 =	vld [tilespmem:s1+$0x60]  }
0x120: {  	[tilespmem:s31+$0xFFFFFEE0] =	vst v2;
	v1 =	vadd.f32 v1, v6;
	v2 =	vld [tilespmem:s16+$0xE0]  }
0x121: {  	v6 =	vld [tilespmem:s1+$0xE0]  }
0x122: {  	[tilespmem:s31+$0xFFFFFF60] =	vst v1;
	v0 =	vadd.f32 v0, v4;
	v1 =	vld [tilespmem:s16+$0x160]  }
0x123: {  	v4 =	vld [tilespmem:s1+$0x160]  }
0x124: {  	v7 =	vld [tilespmem:s16+$0xFFFFFE70];
	[tilespmem:s31+$0xFFFFFFE0] =	vst v0;
	v0 =	vadd.f32 v5, v3  }
0x125: {  	v3 =	vld [tilespmem:s1+$0xFFFFFE70]  }
0x126: {  	v5 =	vld [tilespmem:s16+$0xFFFFFEF0];
	[tilespmem:s31+$0x60] =	vst v0;
	v0 =	vadd.f32 v6, v2  }
0x127: {  	v2 =	vld [tilespmem:s1+$0xFFFFFEF0]  }
0x128: {  	v6 =	vld [tilespmem:s16+$0xFFFFFF70];
	[tilespmem:s31+$0xE0] =	vst v0;
	v0 =	vadd.f32 v4, v1  }
0x129: {  	v1 =	vld [tilespmem:s1+$0xFFFFFF70]  }
0x12a: {  	v3 =	vadd.f32 v3, v7;
	v7 =	vld [tilespmem:s16+$0xFFFFFFF0];
	[tilespmem:s31+$0x160] =	vst v0  }
0x12b: {  	v8 =	vld [tilespmem:s1+$0xFFFFFFF0]  }
0x12c: {  	[tilespmem:s31+$0xFFFFFE70] =	vst v3;
	v3 =	vadd.f32 v2, v5;
	v0 =	vld [tilespmem:s16+$0x70]  }
.Ltmp2:
0x12d: {  	v2 =	vld [tilespmem:s1+$0x70];
	(pc) =	sbr.rel @p2 .LBB2_3-.Ltmp2, $4  }
0x12e: {  	[tilespmem:s31+$0xFFFFFEF0] =	vst v3;
	v3 =	vadd.f32 v1, v6;
	v1 =	vld [tilespmem:s16+$0xF0]  }
0x12f: {  	v4 =	vld [tilespmem:s1+$0xF0]  }
0x130: {  	[tilespmem:s31+$0xFFFFFF70] =	vst v3;
	v6 =	vadd.f32 v8, v7;
	v3 =	vld [tilespmem:s16+$0x170]  }
0x131: {  	s16 =	sadd.s32 $0x400, s16;
	v5 =	vld [tilespmem:s1+$0x170]  }
0x132: {  	_ =	sdelay $0x1  }
0x133: {  	v0 =	vadd.f32 v2, v0  }
0x134: {  	[tilespmem:s31+$0xFFFFFFF0] =	vst v6;
	s1 =	sshll.u32 s29, $0xF;
	v1 =	vadd.f32 v4, v1  }
0x135: {  	s1 =	sadd.s32 s9, s1;
	[tilespmem:s31+$0x70] =	vst v0;
	v0 =	vadd.f32 v5, v3  }
0x136: {  	s1 =	sshrl.u32 s1, $0x3;
	[tilespmem:s31+$0xF0] =	vst v1  }
0x137: {  	p2 =	seq.s32 s29, $0x31;
	s1 =	sadd.s32 s5, s1;
	[tilespmem:s31+$0x170] =	vst v0  }
0x138: {  	[hbm4b:s1+s3] =	stream.linear.scatter [tilespmem:s21], [sflag:$0x5], $0x4000, $0x38;
	[tilespmem:$0x1BA00] =	vst v63  }
0x139: {  	s1 =	sadd.s32 @!p2 $0x2, s30  }
0x13a: {  	s16 =	simm.s32 @!p2 $0x80;
	s15 =	sshll.u32 @!p2 s1, $0x7;
	s1 =	sshll.u32 @!p2 s1, $0xE  }
0x13b: {  	s31 =	simm.s32 @!p2 $0x3200;
	s15 =	sand.u32 @!p2 $0x3FFFFF80, s15;
	s1 =	sadd.s32 @!p2 s9, s1  }
0x13c: {  	[tilespmem:s31], [sflag:$0x1] =	stream.indirect.gather @!p2 [spmem:s2], $0x80, s15, s16, $0xb8;
	[tilespmem:$0x1BA00] =	vst v63  }
0x13d: {  	s1 =	sshrl.u32 @!p2 s1, $0x3  }
0x13e: {  	s15 =	simm.s32 @!p2 $0x0;
	s16 =	simm.s32 @!p2 $0xB200;
	s1 =	sadd.s32 @!p2 s0, s1  }
0x13f: {  	[tilespmem:s16], [sflag:$0x3] =	stream.linear.gather @!p2 [hbm4b:s1+s15], $0x4000, $0x38;
	[tilespmem:$0x1BA00] =	vst v63  }
0x140: {  	_ =	swait.ge [sflag:s22], $0x4000  }
0x141: {  	[sflag:s22] =	ssyncset.done $0x0  }
0x142: {  	[sflag:s22] =	ssyncadd.s32 $0xFFFFC000  }
0x143: {  	_ =	swait.ge [sflag:s23], $0x4000  }
0x144: {  	[sflag:s23] =	ssyncset.done $0x0  }
0x145: {  	s1 =	simm.s32 @!p1 $0x6;
	[sflag:s23] =	ssyncadd.s32 $0xFFFFC000  }
0x146: {  	_ =	swait.ge @!p1 [sflag:s1], $0x4000  }
0x147: {  	[sflag:s1] =	ssyncset.done @!p1 $0x0  }
0x148: {  	s31 =	simm.s32 $0x0;
	[sflag:s1] =	ssyncadd.s32 @!p1 $0xFFFFC000  }
0x149: {  	v0 =	vld [tilespmem:s31+$0xF200]  }
0x14a: {  	v1 =	vld [tilespmem:s31+$0x7200]  }
0x14b: {  	v2 =	vld [tilespmem:s31+$0xF210]  }
0x14c: {  	v3 =	vld [tilespmem:s31+$0x7210]  }
0x14d: {  	v4 =	vld [tilespmem:s31+$0xF220]  }
0x14e: {  	v5 =	vld [tilespmem:s31+$0x7220]  }
0x14f: {  	v6 =	vld [tilespmem:s31+$0x7230]  }
0x150: {  	v7 =	vld [tilespmem:s31+$0xF5F0]  }
0x151: {  	v8 =	vld [tilespmem:s31+$0x75F0]  }
0x152: {  	v9 =	vld [tilespmem:s31+$0xF280]  }
0x153: {  	v10 =	vld [tilespmem:s31+$0x7280]  }
0x154: {  	v11 =	vld [tilespmem:s31+$0xF290]  }
0x155: {  	v12 =	vld [tilespmem:s31+$0x7290]  }
0x156: {  	v13 =	vld [tilespmem:s31+$0xF2A0]  }
0x157: {  	v14 =	vld [tilespmem:s31+$0x72A0]  }
0x158: {  	v59 =	vld [tilespmem:s31+$0xF2B0]  }
0x159: {  	v15 =	vld [tilespmem:s31+$0x72B0]  }
0x15a: {  	v16 =	vld [tilespmem:s31+$0x7270]  }
0x15b: {  	v17 =	vld [tilespmem:s31+$0xF300]  }
0x15c: {  	v18 =	vld [tilespmem:s31+$0x7300]  }
0x15d: {  	v19 =	vld [tilespmem:s31+$0xF310]  }
0x15e: {  	v20 =	vld [tilespmem:s31+$0x7310]  }
0x15f: {  	v21 =	vld [tilespmem:s31+$0xF320]  }
0x160: {  	v22 =	vld [tilespmem:s31+$0x7320]  }
0x161: {  	v62 =	vld [tilespmem:s31+$0xF330]  }
0x162: {  	v23 =	vld [tilespmem:s31+$0x7330]  }
0x163: {  	v63 =	vld [tilespmem:s31+$0x72E0]  }
0x164: {  	v24 =	vld [tilespmem:s31+$0x72F0]  }
0x165: {  	v25 =	vld [tilespmem:s31+$0xF380]  }
0x166: {  	v26 =	vld [tilespmem:s31+$0x7380]  }
0x167: {  	v27 =	vld [tilespmem:s31+$0xF390]  }
0x168: {  	v28 =	vld [tilespmem:s31+$0x7390]  }
0x169: {  	v29 =	vld [tilespmem:s31+$0xF3A0]  }
0x16a: {  	v30 =	vld [tilespmem:s31+$0x73A0]  }
0x16b: {  	v46 =	vld [tilespmem:s31+$0xF3B0]  }
0x16c: {  	v31 =	vld [tilespmem:s31+$0x73B0]  }
0x16d: {  	v49 =	vld [tilespmem:s31+$0xF3D0]  }
0x16e: {  	v50 =	vld [tilespmem:s31+$0x73D0]  }
0x16f: {  	v32 =	vld [tilespmem:s31+$0x7370]  }
0x170: {  	v33 =	vld [tilespmem:s31+$0xF400]  }
0x171: {  	v34 =	vld [tilespmem:s31+$0x7400]  }
0x172: {  	v35 =	vld [tilespmem:s31+$0xF410]  }
0x173: {  	v36 =	vld [tilespmem:s31+$0x7410]  }
0x174: {  	v37 =	vld [tilespmem:s31+$0xF420]  }
0x175: {  	v38 =	vld [tilespmem:s31+$0x7420]  }
0x176: {  	v51 =	vld [tilespmem:s31+$0xF430]  }
0x177: {  	v39 =	vld [tilespmem:s31+$0x7430]  }
0x178: {  	v52 =	vld [tilespmem:s31+$0x73E0]  }
0x179: {  	v54 =	vld [tilespmem:s31+$0xF3F0]  }
0x17a: {  	v56 =	vld [tilespmem:s31+$0x7450]  }
0x17b: {  	v40 =	vld [tilespmem:s31+$0x73F0]  }
0x17c: {  	v41 =	vld [tilespmem:s31+$0x7460]  }
0x17d: {  	v42 =	vld [tilespmem:s31+$0xF480]  }
0x17e: {  	v43 =	vld [tilespmem:s31+$0x7480]  }
0x17f: {  	v57 =	vld [tilespmem:s31+$0x74A0]  }
0x180: {  	v58 =	vld [tilespmem:s31+$0xF4B0]  }
0x181: {  	v0 =	vadd.f32 v1, v0;
	v1 =	vld [tilespmem:s31+$0xF230]  }
0x182: {  	v60 =	vadd.f32 v12, v11;
	v11 =	vld [tilespmem:s31+$0xF2C0]  }
0x183: {  	v12 =	vld [tilespmem:s31+$0xF270]  }
0x184: {  	v61 =	vadd.f32 v14, v13;
	v13 =	vld [tilespmem:s31+$0xF2D0]  }
0x185: {  	v14 =	vld [tilespmem:s31+$0x72D0]  }
0x186: {  	v44 =	vadd.f32 v20, v19;
	v19 =	vld [tilespmem:s31+$0xF340]  }
0x187: {  	v20 =	vld [tilespmem:s31+$0xF2F0]  }
0x188: {  	v45 =	vadd.f32 v22, v21;
	v21 =	vld [tilespmem:s31+$0xF350]  }
0x189: {  	v22 =	vld [tilespmem:s31+$0x7350]  }
0x18a: {  	v17 =	vadd.f32 v18, v17;
	v18 =	vadd.f32 v23, v62;
	v23 =	vld [tilespmem:s31+$0x7360]  }
0x18b: {  	v9 =	vadd.f32 v10, v9;
	v47 =	vadd.f32 v28, v27;
	v27 =	vld [tilespmem:s31+$0xF3C0]  }
0x18c: {  	v28 =	vld [tilespmem:s31+$0xF370];
	[tilespmem:s31+$0x17200] =	vst v0  }
0x18d: {  	v53 =	vadd.f32 v36, v35;
	v35 =	vld [tilespmem:s31+$0xF440];
	[tilespmem:s31+$0x17280] =	vst v9  }
0x18e: {  	v10 =	vadd.f32 v15, v59;
	v55 =	vadd.f32 v38, v37;
	v37 =	vld [tilespmem:s31+$0xF450];
	[tilespmem:s31+$0x17290] =	vst v60  }
0x18f: {  	v25 =	vadd.f32 v26, v25;
	v26 =	vadd.f32 v31, v46;
	v46 =	vld [tilespmem:s31+$0xF4A0];
	[tilespmem:s31+$0x172A0] =	vst v61  }
0x190: {  	v59 =	vld [tilespmem:s31+$0x74B0];
	[tilespmem:s31+$0x17300] =	vst v17  }
0x191: {  	v62 =	vld [tilespmem:s31+$0xF4C0];
	[tilespmem:s31+$0x172B0] =	vst v10  }
0x192: {  	v49 =	vadd.f32 v50, v49;
	v50 =	vld [tilespmem:s31+$0xF4F0];
	[tilespmem:s31+$0x17310] =	vst v44  }
0x193: {  	v0 =	vadd.f32 v3, v2;
	v2 =	vld [tilespmem:s31+$0xF240];
	[tilespmem:s31+$0x17320] =	vst v45  }
0x194: {  	v3 =	vld [tilespmem:s31+$0x7240];
	[tilespmem:s31+$0x17380] =	vst v25  }
0x195: {  	v48 =	vadd.f32 v30, v29;
	v9 =	vld [tilespmem:s31+$0xF2E0];
	[tilespmem:s31+$0x17330] =	vst v18  }
0x196: {  	v33 =	vadd.f32 v34, v33;
	v10 =	vld [tilespmem:s31+$0x7340];
	[tilespmem:s31+$0x17390] =	vst v47  }
0x197: {  	v17 =	vld [tilespmem:s31+$0xF360];
	[tilespmem:s31+$0x173A0] =	vst v48  }
0x198: {  	v18 =	vld [tilespmem:s31+$0x73C0];
	[tilespmem:s31+$0x17400] =	vst v33  }
0x199: {  	v25 =	vld [tilespmem:s31+$0xF3E0];
	[tilespmem:s31+$0x173B0] =	vst v26  }
0x19a: {  	v34 =	vadd.f32 v39, v51;
	v26 =	vld [tilespmem:s31+$0x7440];
	[tilespmem:s31+$0x17410] =	vst v53  }
0x19b: {  	v42 =	vadd.f32 v43, v42;
	[tilespmem:s31+$0x17420] =	vst v55;
	v33 =	vld [tilespmem:s31+$0xF460]  }
0x19c: {  	v7 =	vadd.f32 v8, v7;
	v44 =	vld [tilespmem:s31+$0xF490];
	[tilespmem:s31+$0x17430] =	vst v34  }
0x19d: {  	v45 =	vld [tilespmem:s31+$0x7490];
	[tilespmem:s31+$0x17480] =	vst v42  }
0x19e: {  	v60 =	vld [tilespmem:s31+$0xF470];
	[tilespmem:s31+$0x175F0] =	vst v7  }
0x19f: {  	v7 =	vld [tilespmem:s31+$0x7500];
	[tilespmem:s31+$0x173D0] =	vst v49;
	v53 =	vadd.f32 v40, v54  }
0x1a0: {  	v42 =	vld [tilespmem:s31+$0x7540];
	[tilespmem:s31+$0x17210] =	vst v0;
	v0 =	vadd.f32 v5, v4  }
0x1a1: {  	v48 =	vld [tilespmem:s31+$0x7550];
	[tilespmem:s31+$0x173F0] =	vst v53;
	v1 =	vadd.f32 v6, v1  }
0x1a2: {  	v55 =	vld [tilespmem:s31+$0xF570];
	v39 =	vadd.f32 v32, v28;
	[tilespmem:s31+$0x17220] =	vst v0  }
0x1a3: {  	v4 =	vld [tilespmem:s31+$0xF250];
	v56 =	vadd.f32 v56, v37;
	[tilespmem:s31+$0x17230] =	vst v1  }
0x1a4: {  	v5 =	vld [tilespmem:s31+$0x7250];
	v61 =	vadd.f32 v45, v44;
	[tilespmem:s31+$0x17370] =	vst v39  }
0x1a5: {  	v6 =	vld [tilespmem:s31+$0x7260];
	v2 =	vadd.f32 v3, v2;
	[tilespmem:s31+$0x17450] =	vst v56  }
0x1a6: {  	v0 =	vld [tilespmem:s31+$0xF260];
	v23 =	vadd.f32 v23, v17;
	[tilespmem:s31+$0x17490] =	vst v61  }
0x1a7: {  	v1 =	vld [tilespmem:s31+$0x72C0];
	v45 =	vadd.f32 v59, v58;
	[tilespmem:s31+$0x17240] =	vst v2  }
0x1a8: {  	v3 =	vld [tilespmem:s31+$0x74C0];
	v47 =	vadd.f32 v18, v27;
	[tilespmem:s31+$0x17360] =	vst v23  }
0x1a9: {  	v51 =	vadd.f32 v52, v25;
	v52 =	vld [tilespmem:s31+$0x7560];
	[tilespmem:s31+$0x174B0] =	vst v45  }
0x1aa: {  	v59 =	vld [tilespmem:s31+$0x7580];
	v4 =	vadd.f32 v5, v4;
	[tilespmem:s31+$0x173C0] =	vst v47  }
0x1ab: {  	v5 =	vld [tilespmem:s31+$0x7470];
	[tilespmem:s31+$0x173E0] =	vst v51;
	v0 =	vadd.f32 v6, v0  }
0x1ac: {  	v2 =	vld [tilespmem:s31+$0xF4D0];
	[tilespmem:s31+$0x17250] =	vst v4;
	v4 =	vadd.f32 v16, v12  }
0x1ad: {  	v61 =	vld [tilespmem:s31+$0x7590];
	v3 =	vadd.f32 v3, v62;
	[tilespmem:s31+$0x17260] =	vst v0  }
0x1ae: {  	v6 =	vld [tilespmem:s31+$0x74D0];
	v0 =	vadd.f32 v1, v11;
	[tilespmem:s31+$0x17270] =	vst v4  }
0x1af: {  	v1 =	vld [tilespmem:s31+$0xF500];
	v4 =	vadd.f32 v14, v13;
	[tilespmem:s31+$0x174C0] =	vst v3  }
0x1b0: {  	v16 =	vld [tilespmem:s31+$0x7510];
	[tilespmem:s31+$0x172C0] =	vst v0;
	v0 =	vadd.f32 v63, v9  }
0x1b1: {  	v3 =	vld [tilespmem:s31+$0x75A0];
	[tilespmem:s31+$0x172D0] =	vst v4;
	v4 =	vadd.f32 v24, v20  }
0x1b2: {  	v63 =	vld [tilespmem:s31+$0xF510];
	[tilespmem:s31+$0x172E0] =	vst v0;
	v0 =	vadd.f32 v10, v19  }
0x1b3: {  	v20 =	vld [tilespmem:s31+$0x7520];
	[tilespmem:s31+$0x172F0] =	vst v4;
	v4 =	vadd.f32 v57, v46  }
0x1b4: {  	v5 =	vadd.f32 v5, v60;
	[tilespmem:s31+$0x17340] =	vst v0;
	v0 =	vadd.f32 v7, v1;
	v1 =	vld [tilespmem:s31+$0xF530]  }
0x1b5: {  	v54 =	vadd.f32 v26, v35;
	[tilespmem:s31+$0x174A0] =	vst v4;
	v4 =	vld [tilespmem:s31+$0x7530]  }
0x1b6: {  	[tilespmem:s31+$0x17470] =	vst v5;
	v5 =	vld [tilespmem:s31+$0xF5A0];
	v7 =	vadd.f32 v22, v21  }
0x1b7: {  	[tilespmem:s31+$0x17440] =	vst v54;
	v19 =	vld [tilespmem:s31+$0xF520]  }
0x1b8: {  	v57 =	vld [tilespmem:s31+$0xF580];
	[tilespmem:s31+$0x17350] =	vst v7;
	v7 =	vadd.f32 v16, v63  }
0x1b9: {  	v58 =	vadd.f32 v41, v33;
	[tilespmem:s31+$0x17500] =	vst v0;
	v0 =	vld [tilespmem:s31+$0xF4E0]  }
0x1ba: {  	[tilespmem:s31+$0x17510] =	vst v7;
	v7 =	vld [tilespmem:s31+$0x74E0];
	v1 =	vadd.f32 v4, v1  }
0x1bb: {  	[tilespmem:s31+$0x17460] =	vst v58;
	v2 =	vadd.f32 v6, v2;
	v46 =	vld [tilespmem:s31+$0xF550]  }
0x1bc: {  	v5 =	vadd.f32 v3, v5;
	[tilespmem:s31+$0x17530] =	vst v1;
	v1 =	vld [tilespmem:s31+$0x74F0]  }
0x1bd: {  	v24 =	vld [tilespmem:s31+$0xF540];
	[tilespmem:s31+$0x174D0] =	vst v2;
	v10 =	vadd.f32 v20, v19  }
0x1be: {  	v2 =	vadd.f32 v59, v57;
	[tilespmem:s31+$0x175A0] =	vst v5;
	v4 =	vld [tilespmem:s31+$0xF560]  }
0x1bf: {  	v60 =	vld [tilespmem:s31+$0xF590];
	[tilespmem:s31+$0x17520] =	vst v10;
	v0 =	vadd.f32 v7, v0  }
0x1c0: {  	v62 =	vld [tilespmem:s31+$0x7570];
	v63 =	vadd.f32 v48, v46;
	[tilespmem:s31+$0x17580] =	vst v2  }
0x1c1: {  	v6 =	vld [tilespmem:s31+$0xF5B0];
	[tilespmem:s31+$0x174E0] =	vst v0;
	v0 =	vadd.f32 v1, v50  }
0x1c2: {  	[tilespmem:s31+$0x17550] =	vst v63;
	v7 =	vld [tilespmem:s31+$0x75B0];
	v1 =	vadd.f32 v42, v24  }
0x1c3: {  	v4 =	vadd.f32 v52, v4;
	[tilespmem:s31+$0x174F0] =	vst v0;
	v0 =	vld [tilespmem:s31+$0xF5C0]  }
0x1c4: {  	v2 =	vadd.f32 v61, v60;
	[tilespmem:s31+$0x17540] =	vst v1;
	v1 =	vld [tilespmem:s31+$0x75C0]  }
0x1c5: {  	v3 =	vld [tilespmem:s31+$0x75D0];
	[tilespmem:s31+$0x17560] =	vst v4;
	v4 =	vadd.f32 v62, v55  }
0x1c6: {  	[tilespmem:s31+$0x17590] =	vst v2;
	v2 =	vld [tilespmem:s31+$0xF5D0]  }
0x1c7: {  	s15 =	simm.s32 $0x1000;
	s1 =	simm.s32 $0x0;
	[tilespmem:s31+$0x17570] =	vst v4;
	v5 =	vadd.f32 v7, v6;
	v4 =	vld [tilespmem:s31+$0xF5E0]  }
.LBB2_5:
0x1c8: {  	s16 =	sshra.s32 s15, $0x2;
	v6 =	vld [tilespmem:s31+$0x75E0]  }
0x1c9: {  	s1 =	sadd.s32 $0x8, s1;
	v7 =	vld [tilespmem:s16+$0xF5F0];
	[tilespmem:s31+$0x175B0] =	vst v5;
	v0 =	vadd.f32 v1, v0  }
0x1ca: {  	p1 =	slt.u32 s1, $0x78;
	v1 =	vld [tilespmem:s16+$0x75F0]  }
0x1cb: {  	v5 =	vld [tilespmem:s16+$0xF200];
	[tilespmem:s31+$0x175C0] =	vst v0;
	v0 =	vadd.f32 v3, v2  }
0x1cc: {  	v2 =	vld [tilespmem:s16+$0x7200]  }
0x1cd: {  	v3 =	vld [tilespmem:s16+$0xF210];
	[tilespmem:s31+$0x175D0] =	vst v0;
	v0 =	vadd.f32 v6, v4  }
0x1ce: {  	v4 =	vld [tilespmem:s16+$0x7210]  }
0x1cf: {  	v6 =	vld [tilespmem:s16+$0xF220];
	v1 =	vadd.f32 v1, v7;
	[tilespmem:s31+$0x175E0] =	vst v0;
	s31 =	smov.u32 s16  }
0x1d0: {  	v0 =	vld [tilespmem:s31+$0x7220]  }
0x1d1: {  	v2 =	vadd.f32 v2, v5;
	v5 =	vld [tilespmem:s31+$0xF230];
	[tilespmem:s31+$0x175F0] =	vst v1  }
0x1d2: {  	v1 =	vld [tilespmem:s31+$0x7230]  }
0x1d3: {  	[tilespmem:s31+$0x17200] =	vst v2;
	v2 =	vadd.f32 v4, v3;
	v3 =	vld [tilespmem:s31+$0xF240]  }
0x1d4: {  	v4 =	vld [tilespmem:s31+$0x7240]  }
0x1d5: {  	[tilespmem:s31+$0x17210] =	vst v2;
	v0 =	vadd.f32 v0, v6;
	v2 =	vld [tilespmem:s31+$0xF250]  }
0x1d6: {  	v6 =	vld [tilespmem:s31+$0x7250]  }
0x1d7: {  	[tilespmem:s31+$0x17220] =	vst v0;
	v0 =	vadd.f32 v1, v5;
	v1 =	vld [tilespmem:s31+$0xF260]  }
0x1d8: {  	v5 =	vld [tilespmem:s31+$0x7260]  }
0x1d9: {  	[tilespmem:s31+$0x17230] =	vst v0;
	v0 =	vadd.f32 v4, v3;
	v3 =	vld [tilespmem:s31+$0xF270]  }
0x1da: {  	v4 =	vld [tilespmem:s31+$0x7270]  }
0x1db: {  	[tilespmem:s31+$0x17240] =	vst v0;
	v0 =	vadd.f32 v6, v2;
	v2 =	vld [tilespmem:s31+$0xF280]  }
0x1dc: {  	v6 =	vld [tilespmem:s31+$0x7280]  }
0x1dd: {  	[tilespmem:s31+$0x17250] =	vst v0;
	v0 =	vadd.f32 v5, v1;
	v1 =	vld [tilespmem:s31+$0xF290]  }
0x1de: {  	v5 =	vld [tilespmem:s31+$0x7290]  }
0x1df: {  	[tilespmem:s31+$0x17260] =	vst v0;
	v0 =	vadd.f32 v4, v3;
	v3 =	vld [tilespmem:s31+$0xF2A0]  }
0x1e0: {  	v4 =	vld [tilespmem:s31+$0x72A0]  }
0x1e1: {  	[tilespmem:s31+$0x17270] =	vst v0;
	v0 =	vadd.f32 v6, v2;
	v2 =	vld [tilespmem:s31+$0xF2B0]  }
0x1e2: {  	v6 =	vld [tilespmem:s31+$0x72B0]  }
0x1e3: {  	[tilespmem:s31+$0x17280] =	vst v0;
	v0 =	vadd.f32 v5, v1;
	v1 =	vld [tilespmem:s31+$0xF2C0]  }
0x1e4: {  	v5 =	vld [tilespmem:s31+$0x72C0]  }
0x1e5: {  	[tilespmem:s31+$0x17290] =	vst v0;
	v0 =	vadd.f32 v4, v3;
	v3 =	vld [tilespmem:s31+$0xF2D0]  }
0x1e6: {  	v4 =	vld [tilespmem:s31+$0x72D0]  }
0x1e7: {  	[tilespmem:s31+$0x172A0] =	vst v0;
	v0 =	vadd.f32 v6, v2;
	v2 =	vld [tilespmem:s31+$0xF2E0]  }
0x1e8: {  	v6 =	vld [tilespmem:s31+$0x72E0]  }
0x1e9: {  	[tilespmem:s31+$0x172B0] =	vst v0;
	v0 =	vadd.f32 v5, v1;
	v1 =	vld [tilespmem:s31+$0xF2F0]  }
0x1ea: {  	v5 =	vld [tilespmem:s31+$0x72F0]  }
0x1eb: {  	[tilespmem:s31+$0x172C0] =	vst v0;
	v0 =	vadd.f32 v4, v3;
	v3 =	vld [tilespmem:s31+$0xF300]  }
0x1ec: {  	v4 =	vld [tilespmem:s31+$0x7300]  }
0x1ed: {  	[tilespmem:s31+$0x172D0] =	vst v0;
	v0 =	vadd.f32 v6, v2;
	v2 =	vld [tilespmem:s31+$0xF310]  }
0x1ee: {  	v6 =	vld [tilespmem:s31+$0x7310]  }
0x1ef: {  	[tilespmem:s31+$0x172E0] =	vst v0;
	v0 =	vadd.f32 v5, v1;
	v1 =	vld [tilespmem:s31+$0xF320]  }
0x1f0: {  	v5 =	vld [tilespmem:s31+$0x7320]  }
0x1f1: {  	[tilespmem:s31+$0x172F0] =	vst v0;
	v0 =	vadd.f32 v4, v3;
	v3 =	vld [tilespmem:s31+$0xF330]  }
0x1f2: {  	v4 =	vld [tilespmem:s31+$0x7330]  }
0x1f3: {  	[tilespmem:s31+$0x17300] =	vst v0;
	v0 =	vadd.f32 v6, v2;
	v2 =	vld [tilespmem:s31+$0xF340]  }
0x1f4: {  	v6 =	vld [tilespmem:s31+$0x7340]  }
0x1f5: {  	[tilespmem:s31+$0x17310] =	vst v0;
	v0 =	vadd.f32 v5, v1;
	v1 =	vld [tilespmem:s31+$0xF350]  }
0x1f6: {  	v5 =	vld [tilespmem:s31+$0x7350]  }
0x1f7: {  	[tilespmem:s31+$0x17320] =	vst v0;
	v0 =	vadd.f32 v4, v3;
	v3 =	vld [tilespmem:s31+$0xF360]  }
0x1f8: {  	v4 =	vld [tilespmem:s31+$0x7360]  }
0x1f9: {  	[tilespmem:s31+$0x17330] =	vst v0;
	v0 =	vadd.f32 v6, v2;
	v2 =	vld [tilespmem:s31+$0xF370]  }
0x1fa: {  	v6 =	vld [tilespmem:s31+$0x7370]  }
0x1fb: {  	[tilespmem:s31+$0x17340] =	vst v0;
	v0 =	vadd.f32 v5, v1;
	v1 =	vld [tilespmem:s31+$0xF380]  }
0x1fc: {  	v5 =	vld [tilespmem:s31+$0x7380]  }
0x1fd: {  	[tilespmem:s31+$0x17350] =	vst v0;
	v0 =	vadd.f32 v4, v3;
	v3 =	vld [tilespmem:s31+$0xF390]  }
0x1fe: {  	v4 =	vld [tilespmem:s31+$0x7390]  }
0x1ff: {  	[tilespmem:s31+$0x17360] =	vst v0;
	v0 =	vadd.f32 v6, v2;
	v2 =	vld [tilespmem:s31+$0xF3A0]  }
0x200: {  	v6 =	vld [tilespmem:s31+$0x73A0]  }
0x201: {  	[tilespmem:s31+$0x17370] =	vst v0;
	v0 =	vadd.f32 v5, v1;
	v1 =	vld [tilespmem:s31+$0xF3B0]  }
0x202: {  	v5 =	vld [tilespmem:s31+$0x73B0]  }
0x203: {  	[tilespmem:s31+$0x17380] =	vst v0;
	v0 =	vadd.f32 v4, v3;
	v3 =	vld [tilespmem:s31+$0xF3C0]  }
0x204: {  	v4 =	vld [tilespmem:s31+$0x73C0]  }
0x205: {  	[tilespmem:s31+$0x17390] =	vst v0;
	v0 =	vadd.f32 v6, v2;
	v2 =	vld [tilespmem:s31+$0xF3D0]  }
0x206: {  	v6 =	vld [tilespmem:s31+$0x73D0]  }
0x207: {  	[tilespmem:s31+$0x173A0] =	vst v0;
	v0 =	vadd.f32 v5, v1;
	v1 =	vld [tilespmem:s31+$0xF3E0]  }
0x208: {  	v5 =	vld [tilespmem:s31+$0x73E0]  }
0x209: {  	[tilespmem:s31+$0x173B0] =	vst v0;
	v0 =	vadd.f32 v4, v3;
	v3 =	vld [tilespmem:s31+$0xF3F0]  }
0x20a: {  	v4 =	vld [tilespmem:s31+$0x73F0]  }
0x20b: {  	[tilespmem:s31+$0x173C0] =	vst v0;
	v0 =	vadd.f32 v6, v2;
	v2 =	vld [tilespmem:s31+$0xF400]  }
0x20c: {  	v6 =	vld [tilespmem:s31+$0x7400]  }
0x20d: {  	[tilespmem:s31+$0x173D0] =	vst v0;
	v0 =	vadd.f32 v5, v1;
	v1 =	vld [tilespmem:s31+$0xF410]  }
0x20e: {  	v5 =	vld [tilespmem:s31+$0x7410]  }
0x20f: {  	[tilespmem:s31+$0x173E0] =	vst v0;
	v0 =	vadd.f32 v4, v3;
	v3 =	vld [tilespmem:s31+$0xF420]  }
0x210: {  	v4 =	vld [tilespmem:s31+$0x7420]  }
0x211: {  	[tilespmem:s31+$0x173F0] =	vst v0;
	v0 =	vadd.f32 v6, v2;
	v2 =	vld [tilespmem:s31+$0xF430]  }
0x212: {  	v6 =	vld [tilespmem:s31+$0x7430]  }
0x213: {  	[tilespmem:s31+$0x17400] =	vst v0;
	v0 =	vadd.f32 v5, v1;
	v1 =	vld [tilespmem:s31+$0xF440]  }
0x214: {  	v5 =	vld [tilespmem:s31+$0x7440]  }
0x215: {  	[tilespmem:s31+$0x17410] =	vst v0;
	v0 =	vadd.f32 v4, v3;
	v3 =	vld [tilespmem:s31+$0xF450]  }
0x216: {  	v4 =	vld [tilespmem:s31+$0x7450]  }
0x217: {  	[tilespmem:s31+$0x17420] =	vst v0;
	v0 =	vadd.f32 v6, v2;
	v2 =	vld [tilespmem:s31+$0xF460]  }
0x218: {  	v6 =	vld [tilespmem:s31+$0x7460]  }
0x219: {  	[tilespmem:s31+$0x17430] =	vst v0;
	v0 =	vadd.f32 v5, v1;
	v1 =	vld [tilespmem:s31+$0xF470]  }
0x21a: {  	v5 =	vld [tilespmem:s31+$0x7470]  }
0x21b: {  	[tilespmem:s31+$0x17440] =	vst v0;
	v0 =	vadd.f32 v4, v3;
	v3 =	vld [tilespmem:s31+$0xF480]  }
0x21c: {  	v4 =	vld [tilespmem:s31+$0x7480]  }
0x21d: {  	[tilespmem:s31+$0x17450] =	vst v0;
	v0 =	vadd.f32 v6, v2;
	v2 =	vld [tilespmem:s31+$0xF490]  }
0x21e: {  	v6 =	vld [tilespmem:s31+$0x7490]  }
0x21f: {  	[tilespmem:s31+$0x17460] =	vst v0;
	v0 =	vadd.f32 v5, v1;
	v1 =	vld [tilespmem:s31+$0xF4A0]  }
0x220: {  	v5 =	vld [tilespmem:s31+$0x74A0]  }
0x221: {  	[tilespmem:s31+$0x17470] =	vst v0;
	v0 =	vadd.f32 v4, v3;
	v3 =	vld [tilespmem:s31+$0xF4B0]  }
0x222: {  	v4 =	vld [tilespmem:s31+$0x74B0]  }
0x223: {  	[tilespmem:s31+$0x17480] =	vst v0;
	v0 =	vadd.f32 v6, v2;
	v2 =	vld [tilespmem:s31+$0xF4C0]  }
0x224: {  	v6 =	vld [tilespmem:s31+$0x74C0]  }
0x225: {  	[tilespmem:s31+$0x17490] =	vst v0;
	v0 =	vadd.f32 v5, v1;
	v1 =	vld [tilespmem:s31+$0xF4D0]  }
0x226: {  	v5 =	vld [tilespmem:s31+$0x74D0]  }
0x227: {  	[tilespmem:s31+$0x174A0] =	vst v0;
	v0 =	vadd.f32 v4, v3;
	v3 =	vld [tilespmem:s31+$0xF4E0]  }
0x228: {  	v4 =	vld [tilespmem:s31+$0x74E0]  }
0x229: {  	[tilespmem:s31+$0x174B0] =	vst v0;
	v0 =	vadd.f32 v6, v2;
	v2 =	vld [tilespmem:s31+$0xF4F0]  }
0x22a: {  	v6 =	vld [tilespmem:s31+$0x74F0]  }
0x22b: {  	[tilespmem:s31+$0x174C0] =	vst v0;
	v0 =	vadd.f32 v5, v1;
	v1 =	vld [tilespmem:s31+$0xF500]  }
0x22c: {  	v5 =	vld [tilespmem:s31+$0x7500]  }
0x22d: {  	[tilespmem:s31+$0x174D0] =	vst v0;
	v0 =	vadd.f32 v4, v3;
	v3 =	vld [tilespmem:s31+$0xF510]  }
0x22e: {  	v4 =	vld [tilespmem:s31+$0x7510]  }
0x22f: {  	[tilespmem:s31+$0x174E0] =	vst v0;
	v0 =	vadd.f32 v6, v2;
	v2 =	vld [tilespmem:s31+$0xF520]  }
0x230: {  	v6 =	vld [tilespmem:s31+$0x7520]  }
0x231: {  	[tilespmem:s31+$0x174F0] =	vst v0;
	v0 =	vadd.f32 v5, v1;
	v1 =	vld [tilespmem:s31+$0xF530]  }
0x232: {  	v5 =	vld [tilespmem:s31+$0x7530]  }
0x233: {  	[tilespmem:s31+$0x17500] =	vst v0;
	v0 =	vadd.f32 v4, v3;
	v3 =	vld [tilespmem:s31+$0xF540]  }
0x234: {  	v4 =	vld [tilespmem:s31+$0x7540]  }
0x235: {  	[tilespmem:s31+$0x17510] =	vst v0;
	v0 =	vadd.f32 v6, v2;
	v2 =	vld [tilespmem:s31+$0xF550]  }
0x236: {  	v6 =	vld [tilespmem:s31+$0x7550]  }
0x237: {  	[tilespmem:s31+$0x17520] =	vst v0;
	v0 =	vadd.f32 v5, v1;
	v1 =	vld [tilespmem:s31+$0xF560]  }
0x238: {  	v5 =	vld [tilespmem:s31+$0x7560]  }
0x239: {  	[tilespmem:s31+$0x17530] =	vst v0;
	v0 =	vadd.f32 v4, v3;
	v3 =	vld [tilespmem:s31+$0xF570]  }
0x23a: {  	v4 =	vld [tilespmem:s31+$0x7570]  }
0x23b: {  	[tilespmem:s31+$0x17540] =	vst v0;
	v0 =	vadd.f32 v6, v2;
	v2 =	vld [tilespmem:s31+$0xF580]  }
0x23c: {  	v6 =	vld [tilespmem:s31+$0x7580]  }
0x23d: {  	[tilespmem:s31+$0x17550] =	vst v0;
	v0 =	vadd.f32 v5, v1;
	v1 =	vld [tilespmem:s31+$0xF590]  }
0x23e: {  	v5 =	vld [tilespmem:s31+$0x7590]  }
0x23f: {  	[tilespmem:s31+$0x17560] =	vst v0;
	v0 =	vadd.f32 v4, v3;
	v3 =	vld [tilespmem:s31+$0xF5A0]  }
0x240: {  	v4 =	vld [tilespmem:s31+$0x75A0]  }
0x241: {  	[tilespmem:s31+$0x17570] =	vst v0;
	v0 =	vadd.f32 v6, v2;
	v6 =	vld [tilespmem:s31+$0xF5B0]  }
0x242: {  	v7 =	vld [tilespmem:s31+$0x75B0]  }
.Ltmp3:
0x243: {  	[tilespmem:s31+$0x17580] =	vst v0;
	v2 =	vadd.f32 v5, v1;
	v0 =	vld [tilespmem:s31+$0xF5C0];
	(pc) =	sbr.rel @p1 .LBB2_5-.Ltmp3, $4  }
0x244: {  	v1 =	vld [tilespmem:s31+$0x75C0]  }
0x245: {  	[tilespmem:s31+$0x17590] =	vst v2;
	v4 =	vadd.f32 v4, v3;
	v2 =	vld [tilespmem:s31+$0xF5D0]  }
0x246: {  	v3 =	vld [tilespmem:s31+$0x75D0]  }
0x247: {  	s15 =	sadd.s32 $0x1000, s15;
	[tilespmem:s31+$0x175A0] =	vst v4;
	v5 =	vadd.f32 v7, v6;
	v4 =	vld [tilespmem:s31+$0xF5E0]  }
0x248: {  	v6 =	vld [tilespmem:s31+$0x75E0];
	_ =	sdelay $0x2  }
0x249: {  	v0 =	vadd.f32 v1, v0  }
.Ltmp4:
0x24a: {  	[tilespmem:s31+$0x175B0] =	vst v5;
	v62 =	vadd.f32 v3, v2;
	(pc) =	sbr.rel @p2 .LBB2_8-.Ltmp4, $4  }
0x24b: {  	[tilespmem:s31+$0x175C0] =	vst v0;
	v63 =	vadd.f32 v6, v4  }
0x24c: {  	s1 =	sshll.u32 s29, $0xC;
	[tilespmem:s31+$0x175D0] =	vst v62  }
0x24d: {  	s1 =	sadd.s32 s11, s1;
	[tilespmem:s31+$0x175E0] =	vst v63  }
0x24e: {  	[hbm4b:s1+s3] =	stream.linear.scatter [tilespmem:s24], [sflag:$0x6], $0x4000, $0x38;
	[tilespmem:$0x1BA00] =	vst v63  }
0x24f: {  	s1 =	sadd.s32 $0x3, s30  }
0x250: {  	s15 =	sshll.u32 s1, $0x7;
	s1 =	sshll.u32 s1, $0xE  }
.Ltmp5:
0x251: {  	s15 =	sand.u32 $0x3FFFFF80, s15;
	s1 =	sadd.s32 s9, s1;
	(pc) =	sbr.rel .LBB2_2-.Ltmp5, $4  }
0x252: {  	[tilespmem:s17], [sflag:$0x2] =	stream.indirect.gather [spmem:s2], $0x80, s15, s14, $0xb8;
	[tilespmem:$0x1BA00] =	vst v63  }
0x253: {  	s1 =	sshrl.u32 s1, $0x3  }
0x254: {  	s29 =	sadd.s32 $0x1, s29;
	s1 =	sadd.s32 s0, s1  }
0x255: {  	[tilespmem:s18], [sflag:$0x4] =	stream.linear.gather [hbm4b:s1+s3], $0x4000, $0x38;
	[tilespmem:$0x1BA00] =	vst v63  }
.LBB2_9:
0x256: {  	_ =	sfence.sel $0x180000  }
0x257: {  	[bflag:$0x0] =	sbarrier.arrive $0xFFFF  }
0x258: {  	_ =	strace $0x90000047  }
0x259: {  	[bflag:$0x2] =	sbarrier.arrive $0xFFFF  }
0x25a: {  	s0 =	rddreg [dreg:$0x3]  }
0x25b: {  	s0 =	sadd.s32 @!p0 $0x100000, s0  }
0x25c: {  	[sflag:s0] =	ssyncadd.tile.s32 @!p0 $0x1;
	_ =	shalt  }
.Lfunc_end2:
_tile_overlayer_lowered:
.L_overlay_start_2:
0x25d: {  	(tag) =	ssettag $0x2  }
0x25e: {  	s0 =	rddreg [dreg:$0x0];
	s2 =	stileid.u32  }
0x25f: {  	s1 =	rddreg [dreg:$0x1];
	p0 =	sne.s32 s2, $0x0  }
0x260: {  	s3 =	rddreg [dreg:$0x2];
	[bflag:$0x3] =	sbarrier.arrive $0xFFFF;
	s2 =	simm.s32 @!p0 $0x1C07  }
0x261: {  	[timem:s3], [sflag:s2] =	dma.local @!p0 [hbm:s0], s1  }
0x262: {  	s0 =	simm.s32 @!p0 $0x7  }
0x263: {  	_ =	swait.ge @!p0 [sflag:s0], s1  }
0x264: {  	s1 =	ssub.s32 @!p0 $0x0, s1;
	[sflag:s0] =	ssyncset.done @!p0 $0x0  }
0x265: {  	[sflag:s0] =	ssyncadd.s32 @!p0 s1  }
0x266: {  	[bflag:$0x3] =	sbarrier.arrive $0xFFFF  }
0x267: {  	_ =	shalt  }

// kernel: sparse-core-data-format-call.cloned.1.call-start
scs
called_computation_lowered:
.L_overlay_start_0:
0x0: {  	s2 =	sld [smem:$0x3FD9]  }
0x1: {  	s3 =	sld [smem:$0x3FFE];
	_ =	sdelay $0x1  }
0x2: {  	s1 =	srdreg.scid  }
0x3: {  	s0 =	sand.u32 $0x1, s1  }
0x4: {  	s18 =	sshll.u32 s0, $0xA;
	s2 =	sadd.s32 s3, s2  }
0x5: {  	s2 =	sadd.s32 s2, s18  }
0x6: {  	[smem:$0x3FC5] =	sst s2  }
0x7: {  	_ = 	snop  }
0x8: {  	s2 =	sld [smem:$0x3FD0];
	(tm) =	ssettm $0x1  }
0x9: {  	s19 =	sld [smem:$0x3FFB];
	_ =	sdelay $0x3  }
0xa: {  	_ =	strace s19  }
0xb: {  	s3 =	sld [smem:$0x3FFC];
	_ =	sdelay $0x3  }
0xc: {  	_ =	strace s3  }
0xd: {  	s3 =	sld [smem:$0x3FFD];
	_ =	sdelay $0x3  }
0xe: {  	_ =	strace s3  }
0xf: {  	_ =	strace $0x8FFFFFFF  }
0x10: {  	s20 =	sld [smem:$0x3FDB];
	_ =	sdelay $0x1  }
0x11: {  	s4 =	simm.s32 $_scs_section_size  }
0x12: {  	s5 =	simm.s32 $_size__tile_overlayer_lowered;
	s6 =	simm.s32 $_tile_overlayer_lowered  }
0x13: {  	s23 =	simm.s32 $0x1BFF;
	s22 =	sshll.u32 s6, $0x1;
	s3 =	sadd.s32 s4, s20  }
0x14: {  	s7 =	simm.s32 $0x0;
	s21 =	sshll.u32 s5, $0x1;
	s5 =	sadd.s32 s22, s3  }
0x15: {  	[timem:s7], [sflag:s23] =	dma.local [hbm:s5], s21  }
0x16: {  	_ =	swait.ge [sflag:s23], s21  }
0x17: {  	s4 =	ssub.s32 $0x0, s21;
	[sflag:s23] =	ssyncset.done $0x0  }
0x18: {  	[sflag:s23] =	ssyncadd.s32 s4;
	_ =	sdelay $0x1  }
0x19: {  	s24 =	simm.s32 $0x1B8B  }
0x1a: {  	_ =	swait.ge [sflag:s24], $0x1  }
0x1b: {  	[sflag:s24] =	ssyncset.done $0x0  }
0x1c: {  	s26 =	simm.s32 $0x1B8E;
	s25 =	sld [smem:$0x3FFE];
	[sflag:s24] =	ssyncadd.s32 $0xFFFFFFFF  }
0x1d: {  	s27 =	simm.s32 $execute0_lowered;
	[smem:$0x3FD2] =	sst s26  }
0x1e: {  	s5 =	sshll.u32 s27, $0x1;
	_ =	strace $0x80000049;
	[dreg:$0x1] =	wrdreg $0xFFFFFFFF  }
0x1f: {  	s28 =	simm.s32 $_size_execute0_lowered;
	s3 =	sadd.s32 s3, s5;
	[dreg:$0x0] =	wrdreg $0x0  }
0x20: {  	s5 =	sshll.u32 s28, $0x1;
	[dreg:$0x2] =	wrdreg s3  }
0x21: {  	[dreg:$0x3] =	wrdreg s5  }
0x22: {  	[dreg:$0x4] =	wrdreg $0xC0  }
0x23: {  	_ =	task [dreg:s7], $0x5FFFF  }
0x24: {  	[dreg:$0x1] =	wrdreg $0xFFFFFFFF  }
0x25: {  	[dreg:$0x0] =	wrdreg $0x60  }
0x26: {  	[dreg:$0x2] =	wrdreg s25  }
0x27: {  	[dreg:$0x3] =	wrdreg s2  }
0x28: {  	[dreg:$0x4] =	wrdreg $0x9  }
0x29: {  	_ =	task.clear_ibuf [dreg:s7], $0x5FFFF;
	_ =	strace $0x90000049  }
0x2a: {  	s29 =	simm.s32 $0x9;
	_ =	strace $0x8000004B  }
0x2b: {  	_ =	swait.ge [sflag:s29], $0x1  }
0x2c: {  	[sflag:s29] =	ssyncadd.s32 $0xFFFFFFFF  }
0x2d: {  	_ =	strace $0x9000004B  }
0x2e: {  	_ =	sfence  }
0x2f: {  	s30 =	sld [smem:$0x0];
	_ =	sdelay $0x2  }
0x30: {  	s31 =	sshll.u32 s1, $0xD;
	s1 =	sshrl.u32 s1, $0x2  }
0x31: {  	s3 =	sand.u32 $0x4000, s31;
	s1 =	sadd.s32 s1, s30  }
0x32: {  	s0 =	sor.u32 s3, s0;
	s1 =	sshll.u32 s1, $0x11  }
0x33: {  	s0 =	sor.u32 s1, s0  }
0x34: {  	s0 =	sadd.s32 $0x8F2B, s0  }
0x35: {  	[sflag:s0] =	ssyncadd.remote.s32 $0x1  }
0x36: {  	_ =	sfence.sel $0xFFFF  }
0x37: {  	[dreg:$0x0] =	wrdreg $0xFFFFFFFF;
	(pc) =	sbr.abs _section_cstart, $3  }
0x38: {  	[dreg:$0x1] =	wrdreg $0xFFFFFFFF  }
0x39: {  	_ =	task.clear_ibuf [dreg:s7], $0x2FFFF;
	_ =	strace $0x9FFFFFFF  }
0x3a: {  	(tm) =	ssettm $0x7FFFFFFF  }
0x3b: {  	_ =	shalt  }
tec
execute0_lowered:
.L_overlay_start_1:
0x0: {  	(tag) =	ssettag $0x1  }
0x1: {  	s0 =	srdreg.scid  }
0x2: {  	s1 =	sshll.u32 s0, $0x4  }
0x3: {  	s0 =	stileid.u32;
	s1 =	sand.u32 $0x10, s1  }
0x4: {  	s1 =	sor.u32 s0, s1  }
0x5: {  	s6 =	rddreg [dreg:$0x0];
	s4 =	simm.s32 $0x1;
	s2 =	sshll.u32 s1, $0x7  }
0x6: {  	s7 =	simm.s32 $0x2;
	s12 =	simm.s32 $0x0;
	s1 =	ssub.s32 $0x1000, s2  }
0x7: {  	s8 =	simm.s32 $0x8000;
	s13 =	simm.s32 $0x0;
	s3 =	sand.u32 $0xF80, s1  }
0x8: {  	s9 =	simm.s32 $0x0;
	s5 =	sshrl.u32 s1, $0xC;
	p0 =	sne.s32 s3, $0x0  }
.Ltmp0:
0x9: {  	s1 =	rddreg [dreg:$0x2];
	s4 =	simm.s32 @!p0 $0x0;
	(pc) =	sbr.rel .LBB1_1-.Ltmp0, $4  }
0xa: {  	s11 =	simm.s32 $0x0;
	s3 =	rddreg [dreg:$0x1];
	s5 =	sadd.s32 s4, s5  }
0xb: {  	_ =	strace $0x8000004A;
	s4 =	simm.s32 $0x1;
	s5 =	smul.u32 $0xC8, s5  }
0xc: {  	s6 =	sadd.s32 $0x64E600, s6;
	s10 =	smov.u32 s2;
	[sflag:s4] =	ssyncpa.u1 $0x0  }
0xd: {  	p0 =	por $0x0, $0x0;
	[sflag:s7] =	ssyncpa.u1 $0x0;
	s7 =	sor.u32 $0x1, s5  }
.LBB1_4:
0xe: {  	s16 =	sshll.u32 s13, $0x3;
	s17 =	sand.u32 $0x78, s13  }
0xf: {  	s30 =	sand.u32 $0x7E00, s13;
	s12 =	sshll.u32 s12, $0xF;
	s16 =	sand.u32 $0xC00, s16  }
0x10: {  	[tilespmem:s15+$0x810 ss:$0x81] =	vst.msk $0xffff, v2;
	s31 =	sand.u32 $0x7, s13;
	s16 =	sor.u32 s17, s16;
	s17 =	sadd.s32 s3, s30  }
0x11: {  	[tilespmem:s15+$0x1020 ss:$0x81] =	vst.msk $0xffff, v0;
	s13 =	sshll.u32 s31, $0x12;
	s12 =	sadd.s32 s12, s17;
	s16 =	sshrl.u32 s16, $0x3  }
0x12: {  	[tilespmem:s15+$0x0 ss:$0x81] =	vst.msk $0xffff, v1;
	s13 =	sor.u32 $0x400, s13;
	s12 =	sadd.s32 s16, s12  }
0x13: {  	[hbm4b:s12+s13] =	stream.strided.scatter [tilespmem:s14], [sflag:$0x2], $0x2000, s8, s13, $0x20;
	[tilespmem:$0x8080] =	vst v63  }
.LBB1_5:
0x14: {  	s14 =	sadd.s32 $0x1, s9  }
0x15: {  	s12 =	sadd.s32 $0x1000, s10;
	s16 =	smov.u32 s10;
	p2 =	sgt.s32 s14, $0xC7  }
0x16: {  	s16 =	smov.u32 @p2 s12  }
0x17: {  	s14 =	simm.s32 @p2 $0x0;
	p2 =	sgt.s32 s16, $0xFFF  }
0x18: {  	s16 =	smov.u32 @p2 s2;
	p2 =	sne.s32 s11, s7  }
.Ltmp1:
0x19: {  	p1 =	slt.u32 s11, $0x2;
	(pc) =	sbr.rel @!p2 .LBB1_6-.Ltmp1, $4  }
0x1a: {  	s15 =	simm.s32 @!p1 $0x2  }
0x1b: {  	s13 =	smov.u32 s10;
	p0 =	por !p0, !p0;
	_ =	swait.ge @!p1 [sflag:s15], $0x2000  }
0x1c: {  	s12 =	smov.u32 s9;
	[sflag:s15] =	ssyncset.done @!p1 $0x0;
	s9 =	smov.u32 s14  }
0x1d: {  	s11 =	sadd.s32 $0x1, s11;
	[sflag:s15] =	ssyncadd.s32 @!p1 $0xFFFFE000;
	s10 =	smov.u32 s16  }
.LBB1_1:
0x1e: {  	p1 =	sge.u32 s11, s5  }
0x1f: {  	s14 =	sand.u32 @!p1 $0x1FFFFFF, s9  }
0x20: {  	s15 =	smulhi.u32 @!p1 $0x147AE15, s14;
	_ =	sdelay $0x1  }
0x21: {  	s15 =	smul.u32 @!p1 $0xC8, s15  }
0x22: {  	s16 =	sxor.u32 @!p1 $0xFFFFFFFF, s11;
	s17 =	smul.u32 @!p1 $0xC80, s10  }
0x23: {  	s31 =	sadd.s32 $0xFFFFFFFF, s11;
	s16 =	sshll.u32 @!p1 s16, $0xD;
	s14 =	ssub.s32 @!p1 s14, s15  }
0x24: {  	s15 =	sand.u32 @!p1 $0x2000, s16;
	s16 =	sadd.s32 @!p1 s6, s17;
	s14 =	sshll.u32 @!p1 s14, $0x4  }
0x25: {  	s17 =	simm.s32 @!p1 $0x6400;
	s14 =	sadd.s32 @!p1 s14, s16;
	s16 =	simm.s32 @!p1 $0x40  }
0x26: {  	[tilespmem:s15], [sflag:$0x1] =	stream.strided.gather @!p1 [hbm4b:s14+s16], $0x2000, s17, s16, $0x38;
	[tilespmem:$0x8080] =	vst v63  }
0x27: {  	p1 =	sge.u32 s31, s5  }
.Ltmp2:
0x28: {  	_ = 	snop;
	(pc) =	sbr.rel @p1 .LBB1_5-.Ltmp2, $1  }
0x29: {  	_ =	sdelay $0x3  }
0x2a: {  	s14 =	simm.s32 $0x1  }
0x2b: {  	_ =	swait.ge [sflag:s4], $0x2000;
	s14 =	simm.s32 @!p0 $0x0  }
0x2c: {  	[sflag:s4] =	ssyncset.done $0x0;
	s15 =	sshll.u32 s14, $0xD  }
0x2d: {  	[sflag:s4] =	ssyncadd.s32 $0xFFFFE000;
	s18 =	sor.u32 $0x20, s15  }
0x2e: {  	s14 =	smul.u32 $0x8100, s14;
	v3 =	vld [tilespmem:s18+$0x10]  }
0x2f: {  	s30 =	sand.u32 $0x1, s11;
	v2 =	vld [tilespmem:s18+$0xFFFFFFF0]  }
0x30: {  	s15 =	smul.u32 $0x8100, s30;
	s14 =	sshrl.u32 s14, $0x2;
	v0 =	vld [tilespmem:s18+$0x0]  }
0x31: {  	v1 =	vld [tilespmem:s18+$0xFFFFFFE0];
	s16 =	sor.u32 $0x4000, s14  }
0x32: {  	s31 =	sshrl.u32 s15, $0x2;
	s15 =	sadd.s32 $0x0, s16  }
0x33: {  	s17 =	simm.s32 $0x4;
	s18 =	sadd.s32 $0x40, s18;
	s14 =	sor.u32 $0x4000, s31;
	[tilespmem:s15+$0x1830 ss:$0x81] =	vst.msk $0xffff, v3  }
.LBB1_3:
0x34: {  	v3 =	vld [tilespmem:s18+$0x10];
	p1 =	sne.s32 s17, $0x1FC;
	[tilespmem:s15+$0x810 ss:$0x81] =	vst.msk $0xffff, v2;
	s19 =	smov.u32 s17;
	s17 =	sadd.s32 $0x4, s17  }
.Ltmp3:
0x35: {  	v2 =	vld [tilespmem:s18+$0xFFFFFFF0];
	[tilespmem:s15+$0x1020 ss:$0x81] =	vst.msk $0xffff, v0;
	(pc) =	sbr.rel @p1 .LBB1_3-.Ltmp3, $4  }
0x36: {  	v0 =	vld [tilespmem:s18+$0x0];
	[tilespmem:s15+$0x0 ss:$0x81] =	vst.msk $0xffff, v1  }
0x37: {  	s15 =	sshra.s32 s19, $0x2;
	v1 =	vld [tilespmem:s18+$0xFFFFFFE0]  }
0x38: {  	s15 =	sadd.s32 s15, s16  }
0x39: {  	s18 =	sadd.s32 $0x40, s18;
	[tilespmem:s15+$0x1830 ss:$0x81] =	vst.msk $0xffff, v3  }
.Ltmp4:
0x3a: {  	_ = 	snop;
	(pc) =	sbr.rel .LBB1_4-.Ltmp4, $1  }
0x3b: {  	_ =	sdelay $0x3  }
.LBB1_6:
0x3c: {  	_ =	sfence.sel $0x180000  }
0x3d: {  	s2 =	simm.s32 $0x1;
	[bflag:$0x0] =	sbarrier.arrive $0xFFFF  }
0x3e: {  	s31 =	simm.s32 $0x2;
	[sflag:s2] =	ssyncpa.u1 $0x1  }
0x3f: {  	[sflag:s31] =	ssyncpa.u1 $0x1  }
0x40: {  	p0 =	sne.s32 s0, $0x0;
	_ =	strace $0x9000004A  }
0x41: {  	s0 =	sadd.s32 @!p0 $0x100000, s1;
	[bflag:$0x2] =	sbarrier.arrive $0xFFFF  }
0x42: {  	[sflag:s0] =	ssyncadd.tile.s32 @!p0 $0x1;
	_ =	shalt  }
.Lfunc_end1:
_tile_overlayer_lowered:
.L_overlay_start_2:
0x43: {  	(tag) =	ssettag $0x2  }
0x44: {  	s0 =	rddreg [dreg:$0x0];
	s2 =	stileid.u32  }
0x45: {  	s1 =	rddreg [dreg:$0x1];
	p0 =	sne.s32 s2, $0x0  }
0x46: {  	s3 =	rddreg [dreg:$0x2];
	[bflag:$0x3] =	sbarrier.arrive $0xFFFF;
	s2 =	simm.s32 @!p0 $0x1C01  }
0x47: {  	[timem:s3], [sflag:s2] =	dma.local @!p0 [hbm:s0], s1  }
0x48: {  	s0 =	simm.s32 @!p0 $0x1  }
0x49: {  	_ =	swait.ge @!p0 [sflag:s0], s1  }
0x4a: {  	s1 =	ssub.s32 @!p0 $0x0, s1;
	[sflag:s0] =	ssyncset.done @!p0 $0x0  }
0x4b: {  	[sflag:s0] =	ssyncadd.s32 @!p0 s1  }
0x4c: {  	[bflag:$0x3] =	sbarrier.arrive $0xFFFF  }
0x4d: {  	_ =	shalt  }

</sc_bundles>
